<compile_context>
chip_gen: v7x
topology: tpu7x:2x2x1
jax: 0.10.2.dev20260603
libtpu: 0.0.44.dev20260713+nightly
codegen_flags: <defaults>
</compile_context>

<pallas_src>
import functools

import jax
import jax.numpy as jnp
from jax import lax
from jax.experimental import pallas as pl
from jax.experimental.pallas import tpu as pltpu
from jax.experimental.pallas import tpu_sc as plsc

N_HEADS = 8
D_K = 16
N_BUCKETS = 32
LANES = 16
NUM_WORKERS = 32
ETILE = 128


def _sq_dist_sc(coords_flat, ei_lin, *, B, N, E):
    tpb = E // ETILE
    total = B * E
    wpb = NUM_WORKERS // B
    base_t = tpb // wpb
    rem = tpb - base_t * wpb
    mesh = plsc.VectorSubcoreMesh(core_axis_name="c", subcore_axis_name="s")

    @functools.partial(
        pl.kernel,
        mesh=mesh,
        out_type=jax.ShapeDtypeStruct((total,), jnp.float32),
        scratch_types=[
            pltpu.VMEM((2 * N,), jnp.float32),
            pltpu.VMEM((base_t * 2 * ETILE,), jnp.int32),
            pltpu.VMEM((base_t * ETILE,), jnp.float32),
            pltpu.VMEM((2 * ETILE,), jnp.int32),
            pltpu.VMEM((ETILE,), jnp.float32),
        ],
        compiler_params=pltpu.CompilerParams(needs_layout_passes=False),
    )
    def k(coords_hbm, edges_hbm, out_hbm, coords_v, ebuf, dbuf, eext, dext):
        wid = lax.axis_index("s") * 2 + lax.axis_index("c")
        b = wid // wpb
        j = wid % wpb
        g0 = b * tpb + j * base_t
        pltpu.sync_copy(coords_hbm.at[pl.ds(b * 2 * N, 2 * N)], coords_v)
        pltpu.sync_copy(edges_hbm.at[pl.ds(g0 * 2 * ETILE, base_t * 2 * ETILE)],
                        ebuf)
        def do16(src, dst):
            sx = plsc.load_gather(coords_v, [2 * src])
            sy = plsc.load_gather(coords_v, [2 * src + 1])
            tx = plsc.load_gather(coords_v, [2 * dst])
            ty = plsc.load_gather(coords_v, [2 * dst + 1])
            dx = sx - tx
            dy = sy - ty
            return dx * dx + dy * dy

        def tile_body(t, carry):
            eb = t * 2 * ETILE
            db = t * ETILE
            for q in range(ETILE // LANES):
                src = ebuf[pl.ds(eb + q * LANES, LANES)]
                dst = ebuf[pl.ds(eb + ETILE + q * LANES, LANES)]
                dbuf[pl.ds(db + q * LANES, LANES)] = do16(src, dst)
            return carry

        lax.fori_loop(0, base_t, tile_body, 0)
        pltpu.sync_copy(dbuf, out_hbm.at[pl.ds(g0 * ETILE, base_t * ETILE)])

        @pl.when(j < rem)
        def _():
            ge = b * tpb + wpb * base_t + j
            pltpu.sync_copy(edges_hbm.at[pl.ds(ge * 2 * ETILE, 2 * ETILE)],
                            eext)
            for q in range(ETILE // LANES):
                src = eext[pl.ds(q * LANES, LANES)]
                dst = eext[pl.ds(ETILE + q * LANES, LANES)]
                dext[pl.ds(q * LANES, LANES)] = do16(src, dst)
            pltpu.sync_copy(dext, out_hbm.at[pl.ds(ge * ETILE, ETILE)])

    return k(coords_flat, ei_lin)


def _lookup_tc(d2c, embedding, *, E_full, chunk, n_chunks, prev=None):
    B, _, Ec = d2c.shape
    eblk = 16000
    nblk = Ec // eblk
    d_model = embedding.shape[1]

    def body(*refs):
        d2_ref, emb_ref = refs[0], refs[1]
        out_ref = refs[-1]
        d2v = d2_ref[0]
        dist = jnp.sqrt(d2v)
        bkt = jnp.clip((dist * N_BUCKETS).astype(jnp.int32), 0, N_BUCKETS - 1)
        bktb = jnp.broadcast_to(bkt, (N_BUCKETS, eblk))
        iot = lax.broadcasted_iota(jnp.int32, (N_BUCKETS, eblk), 0)
        onehot_t = (bktb == iot).astype(jnp.float32)
        mat = lax.dot_general(
            emb_ref[...], onehot_t,
            dimension_numbers=(((0,), (0,)), ((), ())),
            preferred_element_type=jnp.float32)
        for h in range(N_HEADS):
            out_ref[0, h] = mat[h * D_K:(h + 1) * D_K, :]

    in_specs = [
        pl.BlockSpec((1, 1, eblk), lambda b, i: (b, 0, i)),
        pl.BlockSpec((N_BUCKETS, d_model), lambda b, i: (0, 0)),
    ]
    args = [d2c, embedding]
    aliases = {}
    if prev is not None:
        in_specs.append(pl.BlockSpec(memory_space=pl.ANY))
        args.append(prev)
        aliases = {2: 0}

    return pl.pallas_call(
        body,
        grid=(B, nblk),
        in_specs=in_specs,
        out_specs=pl.BlockSpec((1, N_HEADS, D_K, eblk),
                               lambda b, i: (b, 0, 0, chunk * nblk + i)),
        out_shape=jax.ShapeDtypeStruct((B, N_HEADS, D_K, E_full), jnp.float32),
        input_output_aliases=aliases,
    )(*args)


def kernel(coords, edge_index, embedding):
    B, N, _ = coords.shape
    _, E, _ = edge_index.shape
    coords_flat = coords.reshape(-1)
    n_chunks = 2
    ec = E // n_chunks
    d2s = []
    for c in range(n_chunks):
        ei_c = (edge_index[:, c * ec:(c + 1) * ec, :].astype(jnp.int32)
                .reshape(B, ec // ETILE, ETILE, 2)
                .transpose(0, 1, 3, 2)
                .reshape(-1))
        d2s.append(_sq_dist_sc(coords_flat, ei_c, B=B, N=N, E=ec))
    out = None
    for c in range(n_chunks):
        out = _lookup_tc(d2s[c].reshape(B, 1, ec), embedding, E_full=E,
                         chunk=c, n_chunks=n_chunks, prev=out)
    return out.transpose(0, 3, 1, 2)

# --- scband reference (transcript-rebuilt; emitter-appended) ---
"""Pipeline reference for scband-relative-positional-encoding-31542239822221 (READ-ONLY COPY).

The authoritative reference and input builder live on the scoring server;
editing this copy changes nothing except your own understanding.
"""

import jax, jax.numpy as jnp
import numpy as np

N_HEADS = 8
D_K = 16
N_BUCKETS = 32
B = 2
N_NODES = 10000
E = 320000


def setup_inputs(seed: int = 0) -> dict:
    key = jax.random.key(seed)
    k1, k2, k3 = jax.random.split(key, 3)
    coords = jax.random.uniform(k1, (B, N_NODES, 2), dtype=jnp.float32)
    edge_index = jax.random.randint(k2, (B, E, 2), 0, N_NODES, dtype=jnp.int64)
    embedding = jax.random.normal(k3, (N_BUCKETS, N_HEADS * D_K), dtype=jnp.float32) * 0.02
    return {"coords": coords, "edge_index": edge_index, "embedding": embedding}


def reference(coords, edge_index, embedding):
    b, e, _ = edge_index.shape
    src = edge_index[:, :, 0]
    dst = edge_index[:, :, 1]
    # batched gather of 2-d coordinates per edge endpoint
    src_coords = jax.vmap(lambda c, i: jnp.take(c, i, axis=0))(coords, src)
    dst_coords = jax.vmap(lambda c, i: jnp.take(c, i, axis=0))(coords, dst)
    dist = jnp.linalg.norm(src_coords - dst_coords, axis=-1)
    dist_buckets = jnp.clip((dist * N_BUCKETS).astype(jnp.int32), 0, N_BUCKETS - 1)
    r = jnp.take(embedding, dist_buckets, axis=0)
    r = r.reshape(b, e, N_HEADS, D_K)
    return r

if __name__ == "__main__":
    import jax
    _d = setup_inputs()
    print(jax.jit(kernel)(*tuple(_d.values())))

</pallas_src>

<mosaic_0001>
#map = affine_map<(d0, d1) -> (0)>
module attributes {stable_mosaic.version = 14 : i64} {
  func.func @k(%arg0: i32, %arg1: i32, %arg2: memref<40000xf32, #tpu.memory_space<hbm>>, %arg3: memref<640000xi32, #tpu.memory_space<hbm>>, %arg4: memref<320000xf32, #tpu.memory_space<hbm>>, %arg5: memref<20000xf32, #tpu.memory_space<vmem>>, %arg6: memref<19968xi32, #tpu.memory_space<vmem>>, %arg7: memref<9984xf32, #tpu.memory_space<vmem>>, %arg8: memref<256xi32, #tpu.memory_space<vmem>>, %arg9: memref<128xf32, #tpu.memory_space<vmem>>) attributes {dimension_semantics = [#tpu.dimension_semantics<core_parallel>, #tpu.dimension_semantics<subcore_parallel>], iteration_bounds = array<i64: 2, 16>, scalar_prefetch = 0 : i64, scratch_operands = 5 : i64, tpu.core_type = #tpu.core_type<sc_vector_subcore>, window_params = [{transform_indices = #map}, {transform_indices = #map}, {transform_indices = #map}]} {
    %mul3A = arith.constant 2 : i32
    %mul3A_0 = arith.muli %arg1, %mul3A : i32
    %add3A = arith.addi %mul3A_0, %arg0 : i32
    %jit3A = arith.constant 16 : i32
    %div3A = arith.divsi %add3A, %jit3A : i32
    %sign3A = arith.constant 0 : i32
    %sign3A_1 = arith.cmpi sgt, %add3A, %sign3A : i32
    %sign3A_2 = arith.extui %sign3A_1 : i1 to i32
    %sign3A_3 = arith.constant 0 : i32
    %sign3A_4 = arith.cmpi slt, %add3A, %sign3A_3 : i32
    %sign3A_5 = arith.extui %sign3A_4 : i1 to i32
    %sign3A_6 = arith.subi %sign3A_2, %sign3A_5 : i32
    %sign3A_7 = arith.constant 0 : i32
    %sign3A_8 = arith.cmpi sgt, %jit3A, %sign3A_7 : i32
    %sign3A_9 = arith.extui %sign3A_8 : i1 to i32
    %sign3A_10 = arith.constant 0 : i32
    %sign3A_11 = arith.cmpi slt, %jit3A, %sign3A_10 : i32
    %sign3A_12 = arith.extui %sign3A_11 : i1 to i32
    %sign3A_13 = arith.subi %sign3A_9, %sign3A_12 : i32
    %ne3A = arith.cmpi ne, %sign3A_6, %sign3A_13 : i32
    %rem3A = arith.remsi %add3A, %jit3A : i32
    %ne3A_14 = arith.constant 0 : i32
    %ne3A_15 = arith.cmpi ne, %rem3A, %ne3A_14 : i32
    %and3A = arith.andi %ne3A, %ne3A_15 : i1
    %sub3A = arith.constant 1 : i32
    %sub3A_16 = arith.subi %div3A, %sub3A : i32
    %select_n3A = arith.select %and3A, %sub3A_16, %div3A : i32
    %jit3A_17 = arith.constant 16 : i32
    %eq3A = arith.constant 0 : i32
    %eq3A_18 = arith.cmpi eq, %jit3A_17, %eq3A : i32
    %jit3A_19 = arith.constant 1 : i32
    %select_n3A_20 = arith.select %eq3A_18, %jit3A_19, %jit3A_17 : i32
    %rem3A_21 = arith.remsi %add3A, %select_n3A_20 : i32
    %ne3A_22 = arith.constant 0 : i32
    %ne3A_23 = arith.cmpi ne, %rem3A_21, %ne3A_22 : i32
    %lt3A = arith.constant 0 : i32
    %lt3A_24 = arith.cmpi slt, %rem3A_21, %lt3A : i32
    %lt3A_25 = arith.constant 0 : i32
    %lt3A_26 = arith.cmpi slt, %select_n3A_20, %lt3A_25 : i32
    %ne3A_27 = arith.xori %lt3A_24, %lt3A_26 : i1
    %and3A_28 = arith.andi %ne3A_27, %ne3A_23 : i1
    %add3A_29 = arith.addi %rem3A_21, %select_n3A_20 : i32
    %select_n3A_30 = arith.select %and3A_28, %add3A_29, %rem3A_21 : i32
    %mul3A_31 = arith.constant 1250 : i32
    %mul3A_32 = arith.muli %select_n3A, %mul3A_31 : i32
    %mul3A_33 = arith.constant 78 : i32
    %mul3A_34 = arith.muli %select_n3A_30, %mul3A_33 : i32
    %add3A_35 = arith.addi %mul3A_32, %mul3A_34 : i32
    %mul3A_36 = arith.constant 2 : i32
    %mul3A_37 = arith.muli %select_n3A, %mul3A_36 : i32
    %mul3A_38 = arith.constant 10000 : i32
    %mul3A_39 = arith.muli %mul3A_37, %mul3A_38 : i32
    "tpu.region"() ({
      %run_scoped3A = tpu.sem_alloc : memref<!tpu.dma_semaphore, #tpu.memory_space<semaphore_mem>>
      %dma_start3A = tpu.memref_slice %arg2[%mul3A_39] : memref<40000xf32, #tpu.memory_space<hbm>> -> memref<20000xf32, #tpu.memory_space<hbm>>
      %dma_start3A_54 = tpu.memref_slice %arg2[%mul3A_39] : memref<40000xf32, #tpu.memory_space<hbm>> -> memref<20000xf32, #tpu.memory_space<hbm>>
      tpu.enqueue_dma source(%dma_start3A_54 : memref<20000xf32, #tpu.memory_space<hbm>>) target(%arg5 : memref<20000xf32, #tpu.memory_space<vmem>>) target_semaphore(%run_scoped3A : memref<!tpu.dma_semaphore, #tpu.memory_space<semaphore_mem>>)
      %dma_wait3A = tpu.memref_slice %arg2[%mul3A_39] : memref<40000xf32, #tpu.memory_space<hbm>> -> memref<20000xf32, #tpu.memory_space<hbm>>
      %dma_wait3A_55 = tpu.memref_slice %arg2[%mul3A_39] : memref<40000xf32, #tpu.memory_space<hbm>> -> memref<20000xf32, #tpu.memory_space<hbm>>
      tpu.wait_dma2 semaphore(%run_scoped3A : memref<!tpu.dma_semaphore, #tpu.memory_space<semaphore_mem>>) src(%dma_wait3A_55 : memref<20000xf32, #tpu.memory_space<hbm>>) dst(%arg5 : memref<20000xf32, #tpu.memory_space<vmem>>)
      tpu.yield
    }) : () -> ()
    %mul3A_40 = arith.constant 2 : i32
    %mul3A_41 = arith.muli %add3A_35, %mul3A_40 : i32
    %mul3A_42 = arith.constant 128 : i32
    %mul3A_43 = arith.muli %mul3A_41, %mul3A_42 : i32
    "tpu.region"() ({
      %run_scoped3A = tpu.sem_alloc : memref<!tpu.dma_semaphore, #tpu.memory_space<semaphore_mem>>
      %dma_start3A = tpu.memref_slice %arg3[%mul3A_43] : memref<640000xi32, #tpu.memory_space<hbm>> -> memref<19968xi32, #tpu.memory_space<hbm>>
      %dma_start3A_54 = tpu.memref_slice %arg3[%mul3A_43] : memref<640000xi32, #tpu.memory_space<hbm>> -> memref<19968xi32, #tpu.memory_space<hbm>>
      tpu.enqueue_dma source(%dma_start3A_54 : memref<19968xi32, #tpu.memory_space<hbm>>) target(%arg6 : memref<19968xi32, #tpu.memory_space<vmem>>) target_semaphore(%run_scoped3A : memref<!tpu.dma_semaphore, #tpu.memory_space<semaphore_mem>>)
      %dma_wait3A = tpu.memref_slice %arg3[%mul3A_43] : memref<640000xi32, #tpu.memory_space<hbm>> -> memref<19968xi32, #tpu.memory_space<hbm>>
      %dma_wait3A_55 = tpu.memref_slice %arg3[%mul3A_43] : memref<640000xi32, #tpu.memory_space<hbm>> -> memref<19968xi32, #tpu.memory_space<hbm>>
      tpu.wait_dma2 semaphore(%run_scoped3A : memref<!tpu.dma_semaphore, #tpu.memory_space<semaphore_mem>>) src(%dma_wait3A_55 : memref<19968xi32, #tpu.memory_space<hbm>>) dst(%arg6 : memref<19968xi32, #tpu.memory_space<vmem>>)
      tpu.yield
    }) : () -> ()
    %scan3A = arith.constant 0 : i32
    %scan3A_44 = arith.constant 0 : i32
    %scan3A_45 = arith.constant 78 : i32
    %scan3A_46 = arith.addi %scan3A_44, %scan3A_45 : i32
    %scan3A_47 = arith.constant 1 : i32
    scf.for %scan3A_54 = %scan3A_44 to %scan3A_46 step %scan3A_47  : i32 {
      %mul3A_55 = arith.constant 2 : i32
      %mul3A_56 = arith.muli %scan3A_54, %mul3A_55 : i32
      %mul3A_57 = arith.constant 128 : i32
      %mul3A_58 = arith.muli %mul3A_56, %mul3A_57 : i32
      %mul3A_59 = arith.constant 128 : i32
      %mul3A_60 = arith.muli %scan3A_54, %mul3A_59 : i32
      %add3A_61 = arith.constant 0 : i32
      %add3A_62 = arith.addi %mul3A_58, %add3A_61 : i32
      %get3A = arith.index_cast %add3A_62 : i32 to index
      %get3A_63 = tpu.vector_load %arg6[%get3A] {strides = array<i32>} : memref<19968xi32, #tpu.memory_space<vmem>>, vector<16xi32>,
      %add3A_64 = arith.constant 128 : i32
      %add3A_65 = arith.addi %mul3A_58, %add3A_64 : i32
      %add3A_66 = arith.constant 0 : i32
      %add3A_67 = arith.addi %add3A_65, %add3A_66 : i32
      %get3A_68 = arith.index_cast %add3A_67 : i32 to index
      %get3A_69 = tpu.vector_load %arg6[%get3A_68] {strides = array<i32>} : memref<19968xi32, #tpu.memory_space<vmem>>, vector<16xi32>,
      %mul3A_70 = arith.constant 2 : i32
      %mul3A_71 = vector.broadcast %mul3A_70 : i32 to vector<16xi32>
      %mul3A_72 = arith.muli %mul3A_71, %get3A_63 : vector<16xi32>
      %gather3A = tpu.vector_load_idx %arg5[%mul3A_72] : memref<20000xf32, #tpu.memory_space<vmem>>[vector<16xi32>], vector<16xf32>,
      %mul3A_73 = arith.constant 2 : i32
      %mul3A_74 = vector.broadcast %mul3A_73 : i32 to vector<16xi32>
      %mul3A_75 = arith.muli %mul3A_74, %get3A_63 : vector<16xi32>
      %add3A_76 = arith.constant 1 : i32
      %add3A_77 = vector.broadcast %add3A_76 : i32 to vector<16xi32>
      %add3A_78 = arith.addi %mul3A_75, %add3A_77 : vector<16xi32>
      %gather3A_79 = tpu.vector_load_idx %arg5[%add3A_78] : memref<20000xf32, #tpu.memory_space<vmem>>[vector<16xi32>], vector<16xf32>,
      %mul3A_80 = arith.constant 2 : i32
      %mul3A_81 = vector.broadcast %mul3A_80 : i32 to vector<16xi32>
      %mul3A_82 = arith.muli %mul3A_81, %get3A_69 : vector<16xi32>
      %gather3A_83 = tpu.vector_load_idx %arg5[%mul3A_82] : memref<20000xf32, #tpu.memory_space<vmem>>[vector<16xi32>], vector<16xf32>,
      %mul3A_84 = arith.constant 2 : i32
      %mul3A_85 = vector.broadcast %mul3A_84 : i32 to vector<16xi32>
      %mul3A_86 = arith.muli %mul3A_85, %get3A_69 : vector<16xi32>
      %add3A_87 = arith.constant 1 : i32
      %add3A_88 = vector.broadcast %add3A_87 : i32 to vector<16xi32>
      %add3A_89 = arith.addi %mul3A_86, %add3A_88 : vector<16xi32>
      %gather3A_90 = tpu.vector_load_idx %arg5[%add3A_89] : memref<20000xf32, #tpu.memory_space<vmem>>[vector<16xi32>], vector<16xf32>,
      %sub3A_91 = arith.subf %gather3A, %gather3A_83 : vector<16xf32>
      %sub3A_92 = arith.subf %gather3A_79, %gather3A_90 : vector<16xf32>
      %mul3A_93 = arith.mulf %sub3A_91, %sub3A_91 : vector<16xf32>
      %mul3A_94 = arith.mulf %sub3A_92, %sub3A_92 : vector<16xf32>
      %add3A_95 = arith.addf %mul3A_93, %mul3A_94 : vector<16xf32>
      %add3A_96 = arith.constant 0 : i32
      %add3A_97 = arith.addi %mul3A_60, %add3A_96 : i32
      %swap3A = arith.index_cast %add3A_97 : i32 to index
      %swap3A_98 = tpu.vector_load %arg7[%swap3A] {strides = array<i32>} : memref<9984xf32, #tpu.memory_space<vmem>>, vector<16xf32>,
      tpu.vector_store %arg7[%swap3A], %add3A_95 {strides = array<i32>} : memref<9984xf32, #tpu.memory_space<vmem>>, vector<16xf32>,
      %add3A_99 = arith.constant 16 : i32
      %add3A_100 = arith.addi %mul3A_58, %add3A_99 : i32
      %get3A_101 = arith.index_cast %add3A_100 : i32 to index
      %get3A_102 = tpu.vector_load %arg6[%get3A_101] {strides = array<i32>} : memref<19968xi32, #tpu.memory_space<vmem>>, vector<16xi32>,
      %add3A_103 = arith.constant 128 : i32
      %add3A_104 = arith.addi %mul3A_58, %add3A_103 : i32
      %add3A_105 = arith.constant 16 : i32
      %add3A_106 = arith.addi %add3A_104, %add3A_105 : i32
      %get3A_107 = arith.index_cast %add3A_106 : i32 to index
      %get3A_108 = tpu.vector_load %arg6[%get3A_107] {strides = array<i32>} : memref<19968xi32, #tpu.memory_space<vmem>>, vector<16xi32>,
      %mul3A_109 = arith.constant 2 : i32
      %mul3A_110 = vector.broadcast %mul3A_109 : i32 to vector<16xi32>
      %mul3A_111 = arith.muli %mul3A_110, %get3A_102 : vector<16xi32>
      %gather3A_112 = tpu.vector_load_idx %arg5[%mul3A_111] : memref<20000xf32, #tpu.memory_space<vmem>>[vector<16xi32>], vector<16xf32>,
      %mul3A_113 = arith.constant 2 : i32
      %mul3A_114 = vector.broadcast %mul3A_113 : i32 to vector<16xi32>
      %mul3A_115 = arith.muli %mul3A_114, %get3A_102 : vector<16xi32>
      %add3A_116 = arith.constant 1 : i32
      %add3A_117 = vector.broadcast %add3A_116 : i32 to vector<16xi32>
      %add3A_118 = arith.addi %mul3A_115, %add3A_117 : vector<16xi32>
      %gather3A_119 = tpu.vector_load_idx %arg5[%add3A_118] : memref<20000xf32, #tpu.memory_space<vmem>>[vector<16xi32>], vector<16xf32>,
      %mul3A_120 = arith.constant 2 : i32
      %mul3A_121 = vector.broadcast %mul3A_120 : i32 to vector<16xi32>
      %mul3A_122 = arith.muli %mul3A_121, %get3A_108 : vector<16xi32>
      %gather3A_123 = tpu.vector_load_idx %arg5[%mul3A_122] : memref<20000xf32, #tpu.memory_space<vmem>>[vector<16xi32>], vector<16xf32>,
      %mul3A_124 = arith.constant 2 : i32
      %mul3A_125 = vector.broadcast %mul3A_124 : i32 to vector<16xi32>
      %mul3A_126 = arith.muli %mul3A_125, %get3A_108 : vector<16xi32>
      %add3A_127 = arith.constant 1 : i32
      %add3A_128 = vector.broadcast %add3A_127 : i32 to vector<16xi32>
      %add3A_129 = arith.addi %mul3A_126, %add3A_128 : vector<16xi32>
      %gather3A_130 = tpu.vector_load_idx %arg5[%add3A_129] : memref<20000xf32, #tpu.memory_space<vmem>>[vector<16xi32>], vector<16xf32>,
      %sub3A_131 = arith.subf %gather3A_112, %gather3A_123 : vector<16xf32>
      %sub3A_132 = arith.subf %gather3A_119, %gather3A_130 : vector<16xf32>
      %mul3A_133 = arith.mulf %sub3A_131, %sub3A_131 : vector<16xf32>
      %mul3A_134 = arith.mulf %sub3A_132, %sub3A_132 : vector<16xf32>
      %add3A_135 = arith.addf %mul3A_133, %mul3A_134 : vector<16xf32>
      %add3A_136 = arith.constant 16 : i32
      %add3A_137 = arith.addi %mul3A_60, %add3A_136 : i32
      %swap3A_138 = arith.index_cast %add3A_137 : i32 to index
      %swap3A_139 = tpu.vector_load %arg7[%swap3A_138] {strides = array<i32>} : memref<9984xf32, #tpu.memory_space<vmem>>, vector<16xf32>,
      tpu.vector_store %arg7[%swap3A_138], %add3A_135 {strides = array<i32>} : memref<9984xf32, #tpu.memory_space<vmem>>, vector<16xf32>,
      %add3A_140 = arith.constant 32 : i32
      %add3A_141 = arith.addi %mul3A_58, %add3A_140 : i32
      %get3A_142 = arith.index_cast %add3A_141 : i32 to index
      %get3A_143 = tpu.vector_load %arg6[%get3A_142] {strides = array<i32>} : memref<19968xi32, #tpu.memory_space<vmem>>, vector<16xi32>,
      %add3A_144 = arith.constant 128 : i32
      %add3A_145 = arith.addi %mul3A_58, %add3A_144 : i32
      %add3A_146 = arith.constant 32 : i32
      %add3A_147 = arith.addi %add3A_145, %add3A_146 : i32
      %get3A_148 = arith.index_cast %add3A_147 : i32 to index
      %get3A_149 = tpu.vector_load %arg6[%get3A_148] {strides = array<i32>} : memref<19968xi32, #tpu.memory_space<vmem>>, vector<16xi32>,
      %mul3A_150 = arith.constant 2 : i32
      %mul3A_151 = vector.broadcast %mul3A_150 : i32 to vector<16xi32>
      %mul3A_152 = arith.muli %mul3A_151, %get3A_143 : vector<16xi32>
      %gather3A_153 = tpu.vector_load_idx %arg5[%mul3A_152] : memref<20000xf32, #tpu.memory_space<vmem>>[vector<16xi32>], vector<16xf32>,
      %mul3A_154 = arith.constant 2 : i32
      %mul3A_155 = vector.broadcast %mul3A_154 : i32 to vector<16xi32>
      %mul3A_156 = arith.muli %mul3A_155, %get3A_143 : vector<16xi32>
      %add3A_157 = arith.constant 1 : i32
      %add3A_158 = vector.broadcast %add3A_157 : i32 to vector<16xi32>
      %add3A_159 = arith.addi %mul3A_156, %add3A_158 : vector<16xi32>
      %gather3A_160 = tpu.vector_load_idx %arg5[%add3A_159] : memref<20000xf32, #tpu.memory_space<vmem>>[vector<16xi32>], vector<16xf32>,
      %mul3A_161 = arith.constant 2 : i32
      %mul3A_162 = vector.broadcast %mul3A_161 : i32 to vector<16xi32>
      %mul3A_163 = arith.muli %mul3A_162, %get3A_149 : vector<16xi32>
      %gather3A_164 = tpu.vector_load_idx %arg5[%mul3A_163] : memref<20000xf32, #tpu.memory_space<vmem>>[vector<16xi32>], vector<16xf32>,
      %mul3A_165 = arith.constant 2 : i32
      %mul3A_166 = vector.broadcast %mul3A_165 : i32 to vector<16xi32>
      %mul3A_167 = arith.muli %mul3A_166, %get3A_149 : vector<16xi32>
      %add3A_168 = arith.constant 1 : i32
      %add3A_169 = vector.broadcast %add3A_168 : i32 to vector<16xi32>
      %add3A_170 = arith.addi %mul3A_167, %add3A_169 : vector<16xi32>
      %gather3A_171 = tpu.vector_load_idx %arg5[%add3A_170] : memref<20000xf32, #tpu.memory_space<vmem>>[vector<16xi32>], vector<16xf32>,
      %sub3A_172 = arith.subf %gather3A_153, %gather3A_164 : vector<16xf32>
      %sub3A_173 = arith.subf %gather3A_160, %gather3A_171 : vector<16xf32>
      %mul3A_174 = arith.mulf %sub3A_172, %sub3A_172 : vector<16xf32>
      %mul3A_175 = arith.mulf %sub3A_173, %sub3A_173 : vector<16xf32>
      %add3A_176 = arith.addf %mul3A_174, %mul3A_175 : vector<16xf32>
      %add3A_177 = arith.constant 32 : i32
      %add3A_178 = arith.addi %mul3A_60, %add3A_177 : i32
      %swap3A_179 = arith.index_cast %add3A_178 : i32 to index
      %swap3A_180 = tpu.vector_load %arg7[%swap3A_179] {strides = array<i32>} : memref<9984xf32, #tpu.memory_space<vmem>>, vector<16xf32>,
      tpu.vector_store %arg7[%swap3A_179], %add3A_176 {strides = array<i32>} : memref<9984xf32, #tpu.memory_space<vmem>>, vector<16xf32>,
      %add3A_181 = arith.constant 48 : i32
      %add3A_182 = arith.addi %mul3A_58, %add3A_181 : i32
      %get3A_183 = arith.index_cast %add3A_182 : i32 to index
      %get3A_184 = tpu.vector_load %arg6[%get3A_183] {strides = array<i32>} : memref<19968xi32, #tpu.memory_space<vmem>>, vector<16xi32>,
      %add3A_185 = arith.constant 128 : i32
      %add3A_186 = arith.addi %mul3A_58, %add3A_185 : i32
      %add3A_187 = arith.constant 48 : i32
      %add3A_188 = arith.addi %add3A_186, %add3A_187 : i32
      %get3A_189 = arith.index_cast %add3A_188 : i32 to index
      %get3A_190 = tpu.vector_load %arg6[%get3A_189] {strides = array<i32>} : memref<19968xi32, #tpu.memory_space<vmem>>, vector<16xi32>,
      %mul3A_191 = arith.constant 2 : i32
      %mul3A_192 = vector.broadcast %mul3A_191 : i32 to vector<16xi32>
      %mul3A_193 = arith.muli %mul3A_192, %get3A_184 : vector<16xi32>
      %gather3A_194 = tpu.vector_load_idx %arg5[%mul3A_193] : memref<20000xf32, #tpu.memory_space<vmem>>[vector<16xi32>], vector<16xf32>,
      %mul3A_195 = arith.constant 2 : i32
      %mul3A_196 = vector.broadcast %mul3A_195 : i32 to vector<16xi32>
      %mul3A_197 = arith.muli %mul3A_196, %get3A_184 : vector<16xi32>
      %add3A_198 = arith.constant 1 : i32
      %add3A_199 = vector.broadcast %add3A_198 : i32 to vector<16xi32>
      %add3A_200 = arith.addi %mul3A_197, %add3A_199 : vector<16xi32>
      %gather3A_201 = tpu.vector_load_idx %arg5[%add3A_200] : memref<20000xf32, #tpu.memory_space<vmem>>[vector<16xi32>], vector<16xf32>,
      %mul3A_202 = arith.constant 2 : i32
      %mul3A_203 = vector.broadcast %mul3A_202 : i32 to vector<16xi32>
      %mul3A_204 = arith.muli %mul3A_203, %get3A_190 : vector<16xi32>
      %gather3A_205 = tpu.vector_load_idx %arg5[%mul3A_204] : memref<20000xf32, #tpu.memory_space<vmem>>[vector<16xi32>], vector<16xf32>,
      %mul3A_206 = arith.constant 2 : i32
      %mul3A_207 = vector.broadcast %mul3A_206 : i32 to vector<16xi32>
      %mul3A_208 = arith.muli %mul3A_207, %get3A_190 : vector<16xi32>
      %add3A_209 = arith.constant 1 : i32
      %add3A_210 = vector.broadcast %add3A_209 : i32 to vector<16xi32>
      %add3A_211 = arith.addi %mul3A_208, %add3A_210 : vector<16xi32>
      %gather3A_212 = tpu.vector_load_idx %arg5[%add3A_211] : memref<20000xf32, #tpu.memory_space<vmem>>[vector<16xi32>], vector<16xf32>,
      %sub3A_213 = arith.subf %gather3A_194, %gather3A_205 : vector<16xf32>
      %sub3A_214 = arith.subf %gather3A_201, %gather3A_212 : vector<16xf32>
      %mul3A_215 = arith.mulf %sub3A_213, %sub3A_213 : vector<16xf32>
      %mul3A_216 = arith.mulf %sub3A_214, %sub3A_214 : vector<16xf32>
      %add3A_217 = arith.addf %mul3A_215, %mul3A_216 : vector<16xf32>
      %add3A_218 = arith.constant 48 : i32
      %add3A_219 = arith.addi %mul3A_60, %add3A_218 : i32
      %swap3A_220 = arith.index_cast %add3A_219 : i32 to index
      %swap3A_221 = tpu.vector_load %arg7[%swap3A_220] {strides = array<i32>} : memref<9984xf32, #tpu.memory_space<vmem>>, vector<16xf32>,
      tpu.vector_store %arg7[%swap3A_220], %add3A_217 {strides = array<i32>} : memref<9984xf32, #tpu.memory_space<vmem>>, vector<16xf32>,
      %add3A_222 = arith.constant 64 : i32
      %add3A_223 = arith.addi %mul3A_58, %add3A_222 : i32
      %get3A_224 = arith.index_cast %add3A_223 : i32 to index
      %get3A_225 = tpu.vector_load %arg6[%get3A_224] {strides = array<i32>} : memref<19968xi32, #tpu.memory_space<vmem>>, vector<16xi32>,
      %add3A_226 = arith.constant 128 : i32
      %add3A_227 = arith.addi %mul3A_58, %add3A_226 : i32
      %add3A_228 = arith.constant 64 : i32
      %add3A_229 = arith.addi %add3A_227, %add3A_228 : i32
      %get3A_230 = arith.index_cast %add3A_229 : i32 to index
      %get3A_231 = tpu.vector_load %arg6[%get3A_230] {strides = array<i32>} : memref<19968xi32, #tpu.memory_space<vmem>>, vector<16xi32>,
      %mul3A_232 = arith.constant 2 : i32
      %mul3A_233 = vector.broadcast %mul3A_232 : i32 to vector<16xi32>
      %mul3A_234 = arith.muli %mul3A_233, %get3A_225 : vector<16xi32>
      %gather3A_235 = tpu.vector_load_idx %arg5[%mul3A_234] : memref<20000xf32, #tpu.memory_space<vmem>>[vector<16xi32>], vector<16xf32>,
      %mul3A_236 = arith.constant 2 : i32
      %mul3A_237 = vector.broadcast %mul3A_236 : i32 to vector<16xi32>
      %mul3A_238 = arith.muli %mul3A_237, %get3A_225 : vector<16xi32>
      %add3A_239 = arith.constant 1 : i32
      %add3A_240 = vector.broadcast %add3A_239 : i32 to vector<16xi32>
      %add3A_241 = arith.addi %mul3A_238, %add3A_240 : vector<16xi32>
      %gather3A_242 = tpu.vector_load_idx %arg5[%add3A_241] : memref<20000xf32, #tpu.memory_space<vmem>>[vector<16xi32>], vector<16xf32>,
      %mul3A_243 = arith.constant 2 : i32
      %mul3A_244 = vector.broadcast %mul3A_243 : i32 to vector<16xi32>
      %mul3A_245 = arith.muli %mul3A_244, %get3A_231 : vector<16xi32>
      %gather3A_246 = tpu.vector_load_idx %arg5[%mul3A_245] : memref<20000xf32, #tpu.memory_space<vmem>>[vector<16xi32>], vector<16xf32>,
      %mul3A_247 = arith.constant 2 : i32
      %mul3A_248 = vector.broadcast %mul3A_247 : i32 to vector<16xi32>
      %mul3A_249 = arith.muli %mul3A_248, %get3A_231 : vector<16xi32>
      %add3A_250 = arith.constant 1 : i32
      %add3A_251 = vector.broadcast %add3A_250 : i32 to vector<16xi32>
      %add3A_252 = arith.addi %mul3A_249, %add3A_251 : vector<16xi32>
      %gather3A_253 = tpu.vector_load_idx %arg5[%add3A_252] : memref<20000xf32, #tpu.memory_space<vmem>>[vector<16xi32>], vector<16xf32>,
      %sub3A_254 = arith.subf %gather3A_235, %gather3A_246 : vector<16xf32>
      %sub3A_255 = arith.subf %gather3A_242, %gather3A_253 : vector<16xf32>
      %mul3A_256 = arith.mulf %sub3A_254, %sub3A_254 : vector<16xf32>
      %mul3A_257 = arith.mulf %sub3A_255, %sub3A_255 : vector<16xf32>
      %add3A_258 = arith.addf %mul3A_256, %mul3A_257 : vector<16xf32>
      %add3A_259 = arith.constant 64 : i32
      %add3A_260 = arith.addi %mul3A_60, %add3A_259 : i32
      %swap3A_261 = arith.index_cast %add3A_260 : i32 to index
      %swap3A_262 = tpu.vector_load %arg7[%swap3A_261] {strides = array<i32>} : memref<9984xf32, #tpu.memory_space<vmem>>, vector<16xf32>,
      tpu.vector_store %arg7[%swap3A_261], %add3A_258 {strides = array<i32>} : memref<9984xf32, #tpu.memory_space<vmem>>, vector<16xf32>,
      %add3A_263 = arith.constant 80 : i32
      %add3A_264 = arith.addi %mul3A_58, %add3A_263 : i32
      %get3A_265 = arith.index_cast %add3A_264 : i32 to index
      %get3A_266 = tpu.vector_load %arg6[%get3A_265] {strides = array<i32>} : memref<19968xi32, #tpu.memory_space<vmem>>, vector<16xi32>,
      %add3A_267 = arith.constant 128 : i32
      %add3A_268 = arith.addi %mul3A_58, %add3A_267 : i32
      %add3A_269 = arith.constant 80 : i32
      %add3A_270 = arith.addi %add3A_268, %add3A_269 : i32
      %get3A_271 = arith.index_cast %add3A_270 : i32 to index
      %get3A_272 = tpu.vector_load %arg6[%get3A_271] {strides = array<i32>} : memref<19968xi32, #tpu.memory_space<vmem>>, vector<16xi32>,
      %mul3A_273 = arith.constant 2 : i32
      %mul3A_274 = vector.broadcast %mul3A_273 : i32 to vector<16xi32>
      %mul3A_275 = arith.muli %mul3A_274, %get3A_266 : vector<16xi32>
      %gather3A_276 = tpu.vector_load_idx %arg5[%mul3A_275] : memref<20000xf32, #tpu.memory_space<vmem>>[vector<16xi32>], vector<16xf32>,
      %mul3A_277 = arith.constant 2 : i32
      %mul3A_278 = vector.broadcast %mul3A_277 : i32 to vector<16xi32>
      %mul3A_279 = arith.muli %mul3A_278, %get3A_266 : vector<16xi32>
      %add3A_280 = arith.constant 1 : i32
      %add3A_281 = vector.broadcast %add3A_280 : i32 to vector<16xi32>
      %add3A_282 = arith.addi %mul3A_279, %add3A_281 : vector<16xi32>
      %gather3A_283 = tpu.vector_load_idx %arg5[%add3A_282] : memref<20000xf32, #tpu.memory_space<vmem>>[vector<16xi32>], vector<16xf32>,
      %mul3A_284 = arith.constant 2 : i32
      %mul3A_285 = vector.broadcast %mul3A_284 : i32 to vector<16xi32>
      %mul3A_286 = arith.muli %mul3A_285, %get3A_272 : vector<16xi32>
      %gather3A_287 = tpu.vector_load_idx %arg5[%mul3A_286] : memref<20000xf32, #tpu.memory_space<vmem>>[vector<16xi32>], vector<16xf32>,
      %mul3A_288 = arith.constant 2 : i32
      %mul3A_289 = vector.broadcast %mul3A_288 : i32 to vector<16xi32>
      %mul3A_290 = arith.muli %mul3A_289, %get3A_272 : vector<16xi32>
      %add3A_291 = arith.constant 1 : i32
      %add3A_292 = vector.broadcast %add3A_291 : i32 to vector<16xi32>
      %add3A_293 = arith.addi %mul3A_290, %add3A_292 : vector<16xi32>
      %gather3A_294 = tpu.vector_load_idx %arg5[%add3A_293] : memref<20000xf32, #tpu.memory_space<vmem>>[vector<16xi32>], vector<16xf32>,
      %sub3A_295 = arith.subf %gather3A_276, %gather3A_287 : vector<16xf32>
      %sub3A_296 = arith.subf %gather3A_283, %gather3A_294 : vector<16xf32>
      %mul3A_297 = arith.mulf %sub3A_295, %sub3A_295 : vector<16xf32>
      %mul3A_298 = arith.mulf %sub3A_296, %sub3A_296 : vector<16xf32>
      %add3A_299 = arith.addf %mul3A_297, %mul3A_298 : vector<16xf32>
      %add3A_300 = arith.constant 80 : i32
      %add3A_301 = arith.addi %mul3A_60, %add3A_300 : i32
      %swap3A_302 = arith.index_cast %add3A_301 : i32 to index
      %swap3A_303 = tpu.vector_load %arg7[%swap3A_302] {strides = array<i32>} : memref<9984xf32, #tpu.memory_space<vmem>>, vector<16xf32>,
      tpu.vector_store %arg7[%swap3A_302], %add3A_299 {strides = array<i32>} : memref<9984xf32, #tpu.memory_space<vmem>>, vector<16xf32>,
      %add3A_304 = arith.constant 96 : i32
      %add3A_305 = arith.addi %mul3A_58, %add3A_304 : i32
      %get3A_306 = arith.index_cast %add3A_305 : i32 to index
      %get3A_307 = tpu.vector_load %arg6[%get3A_306] {strides = array<i32>} : memref<19968xi32, #tpu.memory_space<vmem>>, vector<16xi32>,
      %add3A_308 = arith.constant 128 : i32
      %add3A_309 = arith.addi %mul3A_58, %add3A_308 : i32
      %add3A_310 = arith.constant 96 : i32
      %add3A_311 = arith.addi %add3A_309, %add3A_310 : i32
      %get3A_312 = arith.index_cast %add3A_311 : i32 to index
      %get3A_313 = tpu.vector_load %arg6[%get3A_312] {strides = array<i32>} : memref<19968xi32, #tpu.memory_space<vmem>>, vector<16xi32>,
      %mul3A_314 = arith.constant 2 : i32
      %mul3A_315 = vector.broadcast %mul3A_314 : i32 to vector<16xi32>
      %mul3A_316 = arith.muli %mul3A_315, %get3A_307 : vector<16xi32>
      %gather3A_317 = tpu.vector_load_idx %arg5[%mul3A_316] : memref<20000xf32, #tpu.memory_space<vmem>>[vector<16xi32>], vector<16xf32>,
      %mul3A_318 = arith.constant 2 : i32
      %mul3A_319 = vector.broadcast %mul3A_318 : i32 to vector<16xi32>
      %mul3A_320 = arith.muli %mul3A_319, %get3A_307 : vector<16xi32>
      %add3A_321 = arith.constant 1 : i32
      %add3A_322 = vector.broadcast %add3A_321 : i32 to vector<16xi32>
      %add3A_323 = arith.addi %mul3A_320, %add3A_322 : vector<16xi32>
      %gather3A_324 = tpu.vector_load_idx %arg5[%add3A_323] : memref<20000xf32, #tpu.memory_space<vmem>>[vector<16xi32>], vector<16xf32>,
      %mul3A_325 = arith.constant 2 : i32
      %mul3A_326 = vector.broadcast %mul3A_325 : i32 to vector<16xi32>
      %mul3A_327 = arith.muli %mul3A_326, %get3A_313 : vector<16xi32>
      %gather3A_328 = tpu.vector_load_idx %arg5[%mul3A_327] : memref<20000xf32, #tpu.memory_space<vmem>>[vector<16xi32>], vector<16xf32>,
      %mul3A_329 = arith.constant 2 : i32
      %mul3A_330 = vector.broadcast %mul3A_329 : i32 to vector<16xi32>
      %mul3A_331 = arith.muli %mul3A_330, %get3A_313 : vector<16xi32>
      %add3A_332 = arith.constant 1 : i32
      %add3A_333 = vector.broadcast %add3A_332 : i32 to vector<16xi32>
      %add3A_334 = arith.addi %mul3A_331, %add3A_333 : vector<16xi32>
      %gather3A_335 = tpu.vector_load_idx %arg5[%add3A_334] : memref<20000xf32, #tpu.memory_space<vmem>>[vector<16xi32>], vector<16xf32>,
      %sub3A_336 = arith.subf %gather3A_317, %gather3A_328 : vector<16xf32>
      %sub3A_337 = arith.subf %gather3A_324, %gather3A_335 : vector<16xf32>
      %mul3A_338 = arith.mulf %sub3A_336, %sub3A_336 : vector<16xf32>
      %mul3A_339 = arith.mulf %sub3A_337, %sub3A_337 : vector<16xf32>
      %add3A_340 = arith.addf %mul3A_338, %mul3A_339 : vector<16xf32>
      %add3A_341 = arith.constant 96 : i32
      %add3A_342 = arith.addi %mul3A_60, %add3A_341 : i32
      %swap3A_343 = arith.index_cast %add3A_342 : i32 to index
      %swap3A_344 = tpu.vector_load %arg7[%swap3A_343] {strides = array<i32>} : memref<9984xf32, #tpu.memory_space<vmem>>, vector<16xf32>,
      tpu.vector_store %arg7[%swap3A_343], %add3A_340 {strides = array<i32>} : memref<9984xf32, #tpu.memory_space<vmem>>, vector<16xf32>,
      %add3A_345 = arith.constant 112 : i32
      %add3A_346 = arith.addi %mul3A_58, %add3A_345 : i32
      %get3A_347 = arith.index_cast %add3A_346 : i32 to index
      %get3A_348 = tpu.vector_load %arg6[%get3A_347] {strides = array<i32>} : memref<19968xi32, #tpu.memory_space<vmem>>, vector<16xi32>,
      %add3A_349 = arith.constant 128 : i32
      %add3A_350 = arith.addi %mul3A_58, %add3A_349 : i32
      %add3A_351 = arith.constant 112 : i32
      %add3A_352 = arith.addi %add3A_350, %add3A_351 : i32
      %get3A_353 = arith.index_cast %add3A_352 : i32 to index
      %get3A_354 = tpu.vector_load %arg6[%get3A_353] {strides = array<i32>} : memref<19968xi32, #tpu.memory_space<vmem>>, vector<16xi32>,
      %mul3A_355 = arith.constant 2 : i32
      %mul3A_356 = vector.broadcast %mul3A_355 : i32 to vector<16xi32>
      %mul3A_357 = arith.muli %mul3A_356, %get3A_348 : vector<16xi32>
      %gather3A_358 = tpu.vector_load_idx %arg5[%mul3A_357] : memref<20000xf32, #tpu.memory_space<vmem>>[vector<16xi32>], vector<16xf32>,
      %mul3A_359 = arith.constant 2 : i32
      %mul3A_360 = vector.broadcast %mul3A_359 : i32 to vector<16xi32>
      %mul3A_361 = arith.muli %mul3A_360, %get3A_348 : vector<16xi32>
      %add3A_362 = arith.constant 1 : i32
      %add3A_363 = vector.broadcast %add3A_362 : i32 to vector<16xi32>
      %add3A_364 = arith.addi %mul3A_361, %add3A_363 : vector<16xi32>
      %gather3A_365 = tpu.vector_load_idx %arg5[%add3A_364] : memref<20000xf32, #tpu.memory_space<vmem>>[vector<16xi32>], vector<16xf32>,
      %mul3A_366 = arith.constant 2 : i32
      %mul3A_367 = vector.broadcast %mul3A_366 : i32 to vector<16xi32>
      %mul3A_368 = arith.muli %mul3A_367, %get3A_354 : vector<16xi32>
      %gather3A_369 = tpu.vector_load_idx %arg5[%mul3A_368] : memref<20000xf32, #tpu.memory_space<vmem>>[vector<16xi32>], vector<16xf32>,
      %mul3A_370 = arith.constant 2 : i32
      %mul3A_371 = vector.broadcast %mul3A_370 : i32 to vector<16xi32>
      %mul3A_372 = arith.muli %mul3A_371, %get3A_354 : vector<16xi32>
      %add3A_373 = arith.constant 1 : i32
      %add3A_374 = vector.broadcast %add3A_373 : i32 to vector<16xi32>
      %add3A_375 = arith.addi %mul3A_372, %add3A_374 : vector<16xi32>
      %gather3A_376 = tpu.vector_load_idx %arg5[%add3A_375] : memref<20000xf32, #tpu.memory_space<vmem>>[vector<16xi32>], vector<16xf32>,
      %sub3A_377 = arith.subf %gather3A_358, %gather3A_369 : vector<16xf32>
      %sub3A_378 = arith.subf %gather3A_365, %gather3A_376 : vector<16xf32>
      %mul3A_379 = arith.mulf %sub3A_377, %sub3A_377 : vector<16xf32>
      %mul3A_380 = arith.mulf %sub3A_378, %sub3A_378 : vector<16xf32>
      %add3A_381 = arith.addf %mul3A_379, %mul3A_380 : vector<16xf32>
      %add3A_382 = arith.constant 112 : i32
      %add3A_383 = arith.addi %mul3A_60, %add3A_382 : i32
      %swap3A_384 = arith.index_cast %add3A_383 : i32 to index
      %swap3A_385 = tpu.vector_load %arg7[%swap3A_384] {strides = array<i32>} : memref<9984xf32, #tpu.memory_space<vmem>>, vector<16xf32>,
      tpu.vector_store %arg7[%swap3A_384], %add3A_381 {strides = array<i32>} : memref<9984xf32, #tpu.memory_space<vmem>>, vector<16xf32>,
    }
    %scan3A_48 = arith.constant 78 : i32
    %mul3A_49 = arith.constant 128 : i32
    %mul3A_50 = arith.muli %add3A_35, %mul3A_49 : i32
    "tpu.region"() ({
      %run_scoped3A = tpu.sem_alloc : memref<!tpu.dma_semaphore, #tpu.memory_space<semaphore_mem>>
      %dma_start3A = tpu.memref_slice %arg4[%mul3A_50] : memref<320000xf32, #tpu.memory_space<hbm>> -> memref<9984xf32, #tpu.memory_space<hbm>>
      %dma_start3A_54 = tpu.memref_slice %arg4[%mul3A_50] : memref<320000xf32, #tpu.memory_space<hbm>> -> memref<9984xf32, #tpu.memory_space<hbm>>
      tpu.enqueue_dma source(%arg7 : memref<9984xf32, #tpu.memory_space<vmem>>) target(%dma_start3A_54 : memref<9984xf32, #tpu.memory_space<hbm>>) target_semaphore(%run_scoped3A : memref<!tpu.dma_semaphore, #tpu.memory_space<semaphore_mem>>)
      %dma_wait3A = tpu.memref_slice %arg4[%mul3A_50] : memref<320000xf32, #tpu.memory_space<hbm>> -> memref<9984xf32, #tpu.memory_space<hbm>>
      %dma_wait3A_55 = tpu.memref_slice %arg4[%mul3A_50] : memref<320000xf32, #tpu.memory_space<hbm>> -> memref<9984xf32, #tpu.memory_space<hbm>>
      tpu.wait_dma2 semaphore(%run_scoped3A : memref<!tpu.dma_semaphore, #tpu.memory_space<semaphore_mem>>) src(%arg7 : memref<9984xf32, #tpu.memory_space<vmem>>) dst(%dma_wait3A_55 : memref<9984xf32, #tpu.memory_space<hbm>>)
      tpu.yield
    }) : () -> ()
    %lt3A_51 = arith.constant 2 : i32
    %lt3A_52 = arith.cmpi slt, %select_n3A_30, %lt3A_51 : i32
    %convert_element_type3A = arith.extui %lt3A_52 : i1 to i32
    %cond3A = arith.constant 0 : i32
    %cond3A_53 = arith.cmpi ne, %convert_element_type3A, %cond3A : i32
    scf.if %cond3A_53 {
      %mul3A_54 = arith.constant 1250 : i32
      %mul3A_55 = arith.muli %select_n3A, %mul3A_54 : i32
      %add3A_56 = arith.constant 1248 : i32
      %add3A_57 = arith.addi %mul3A_55, %add3A_56 : i32
      %add3A_58 = arith.addi %add3A_57, %select_n3A_30 : i32
      %mul3A_59 = arith.constant 2 : i32
      %mul3A_60 = arith.muli %add3A_58, %mul3A_59 : i32
      %mul3A_61 = arith.constant 128 : i32
      %mul3A_62 = arith.muli %mul3A_60, %mul3A_61 : i32
      "tpu.region"() ({
        %run_scoped3A = tpu.sem_alloc : memref<!tpu.dma_semaphore, #tpu.memory_space<semaphore_mem>>
        %dma_start3A = tpu.memref_slice %arg3[%mul3A_62] : memref<640000xi32, #tpu.memory_space<hbm>> -> memref<256xi32, #tpu.memory_space<hbm>>
        %dma_start3A_326 = tpu.memref_slice %arg3[%mul3A_62] : memref<640000xi32, #tpu.memory_space<hbm>> -> memref<256xi32, #tpu.memory_space<hbm>>
        tpu.enqueue_dma source(%dma_start3A_326 : memref<256xi32, #tpu.memory_space<hbm>>) target(%arg8 : memref<256xi32, #tpu.memory_space<vmem>>) target_semaphore(%run_scoped3A : memref<!tpu.dma_semaphore, #tpu.memory_space<semaphore_mem>>)
        %dma_wait3A = tpu.memref_slice %arg3[%mul3A_62] : memref<640000xi32, #tpu.memory_space<hbm>> -> memref<256xi32, #tpu.memory_space<hbm>>
        %dma_wait3A_327 = tpu.memref_slice %arg3[%mul3A_62] : memref<640000xi32, #tpu.memory_space<hbm>> -> memref<256xi32, #tpu.memory_space<hbm>>
        tpu.wait_dma2 semaphore(%run_scoped3A : memref<!tpu.dma_semaphore, #tpu.memory_space<semaphore_mem>>) src(%dma_wait3A_327 : memref<256xi32, #tpu.memory_space<hbm>>) dst(%arg8 : memref<256xi32, #tpu.memory_space<vmem>>)
        tpu.yield
      }) : () -> ()
      %get3A = arith.constant 0 : index
      %get3A_63 = tpu.vector_load %arg8[%get3A] {strides = array<i32>} : memref<256xi32, #tpu.memory_space<vmem>>, vector<16xi32>,
      %get3A_64 = arith.constant 128 : index
      %get3A_65 = tpu.vector_load %arg8[%get3A_64] {strides = array<i32>} : memref<256xi32, #tpu.memory_space<vmem>>, vector<16xi32>,
      %mul3A_66 = arith.constant 2 : i32
      %mul3A_67 = vector.broadcast %mul3A_66 : i32 to vector<16xi32>
      %mul3A_68 = arith.muli %mul3A_67, %get3A_63 : vector<16xi32>
      %gather3A = tpu.vector_load_idx %arg5[%mul3A_68] : memref<20000xf32, #tpu.memory_space<vmem>>[vector<16xi32>], vector<16xf32>,
      %mul3A_69 = arith.constant 2 : i32
      %mul3A_70 = vector.broadcast %mul3A_69 : i32 to vector<16xi32>
      %mul3A_71 = arith.muli %mul3A_70, %get3A_63 : vector<16xi32>
      %add3A_72 = arith.constant 1 : i32
      %add3A_73 = vector.broadcast %add3A_72 : i32 to vector<16xi32>
      %add3A_74 = arith.addi %mul3A_71, %add3A_73 : vector<16xi32>
      %gather3A_75 = tpu.vector_load_idx %arg5[%add3A_74] : memref<20000xf32, #tpu.memory_space<vmem>>[vector<16xi32>], vector<16xf32>,
      %mul3A_76 = arith.constant 2 : i32
      %mul3A_77 = vector.broadcast %mul3A_76 : i32 to vector<16xi32>
      %mul3A_78 = arith.muli %mul3A_77, %get3A_65 : vector<16xi32>
      %gather3A_79 = tpu.vector_load_idx %arg5[%mul3A_78] : memref<20000xf32, #tpu.memory_space<vmem>>[vector<16xi32>], vector<16xf32>,
      %mul3A_80 = arith.constant 2 : i32
      %mul3A_81 = vector.broadcast %mul3A_80 : i32 to vector<16xi32>
      %mul3A_82 = arith.muli %mul3A_81, %get3A_65 : vector<16xi32>
      %add3A_83 = arith.constant 1 : i32
      %add3A_84 = vector.broadcast %add3A_83 : i32 to vector<16xi32>
      %add3A_85 = arith.addi %mul3A_82, %add3A_84 : vector<16xi32>
      %gather3A_86 = tpu.vector_load_idx %arg5[%add3A_85] : memref<20000xf32, #tpu.memory_space<vmem>>[vector<16xi32>], vector<16xf32>,
      %sub3A_87 = arith.subf %gather3A, %gather3A_79 : vector<16xf32>
      %sub3A_88 = arith.subf %gather3A_75, %gather3A_86 : vector<16xf32>
      %mul3A_89 = arith.mulf %sub3A_87, %sub3A_87 : vector<16xf32>
      %mul3A_90 = arith.mulf %sub3A_88, %sub3A_88 : vector<16xf32>
      %add3A_91 = arith.addf %mul3A_89, %mul3A_90 : vector<16xf32>
      %swap3A = arith.constant 0 : index
      %swap3A_92 = tpu.vector_load %arg9[%swap3A] {strides = array<i32>} : memref<128xf32, #tpu.memory_space<vmem>>, vector<16xf32>,
      tpu.vector_store %arg9[%swap3A], %add3A_91 {strides = array<i32>} : memref<128xf32, #tpu.memory_space<vmem>>, vector<16xf32>,
      %get3A_93 = arith.constant 16 : index
      %get3A_94 = tpu.vector_load %arg8[%get3A_93] {strides = array<i32>} : memref<256xi32, #tpu.memory_space<vmem>>, vector<16xi32>,
      %get3A_95 = arith.constant 144 : index
      %get3A_96 = tpu.vector_load %arg8[%get3A_95] {strides = array<i32>} : memref<256xi32, #tpu.memory_space<vmem>>, vector<16xi32>,
      %mul3A_97 = arith.constant 2 : i32
      %mul3A_98 = vector.broadcast %mul3A_97 : i32 to vector<16xi32>
      %mul3A_99 = arith.muli %mul3A_98, %get3A_94 : vector<16xi32>
      %gather3A_100 = tpu.vector_load_idx %arg5[%mul3A_99] : memref<20000xf32, #tpu.memory_space<vmem>>[vector<16xi32>], vector<16xf32>,
      %mul3A_101 = arith.constant 2 : i32
      %mul3A_102 = vector.broadcast %mul3A_101 : i32 to vector<16xi32>
      %mul3A_103 = arith.muli %mul3A_102, %get3A_94 : vector<16xi32>
      %add3A_104 = arith.constant 1 : i32
      %add3A_105 = vector.broadcast %add3A_104 : i32 to vector<16xi32>
      %add3A_106 = arith.addi %mul3A_103, %add3A_105 : vector<16xi32>
      %gather3A_107 = tpu.vector_load_idx %arg5[%add3A_106] : memref<20000xf32, #tpu.memory_space<vmem>>[vector<16xi32>], vector<16xf32>,
      %mul3A_108 = arith.constant 2 : i32
      %mul3A_109 = vector.broadcast %mul3A_108 : i32 to vector<16xi32>
      %mul3A_110 = arith.muli %mul3A_109, %get3A_96 : vector<16xi32>
      %gather3A_111 = tpu.vector_load_idx %arg5[%mul3A_110] : memref<20000xf32, #tpu.memory_space<vmem>>[vector<16xi32>], vector<16xf32>,
      %mul3A_112 = arith.constant 2 : i32
      %mul3A_113 = vector.broadcast %mul3A_112 : i32 to vector<16xi32>
      %mul3A_114 = arith.muli %mul3A_113, %get3A_96 : vector<16xi32>
      %add3A_115 = arith.constant 1 : i32
      %add3A_116 = vector.broadcast %add3A_115 : i32 to vector<16xi32>
      %add3A_117 = arith.addi %mul3A_114, %add3A_116 : vector<16xi32>
      %gather3A_118 = tpu.vector_load_idx %arg5[%add3A_117] : memref<20000xf32, #tpu.memory_space<vmem>>[vector<16xi32>], vector<16xf32>,
      %sub3A_119 = arith.subf %gather3A_100, %gather3A_111 : vector<16xf32>
      %sub3A_120 = arith.subf %gather3A_107, %gather3A_118 : vector<16xf32>
      %mul3A_121 = arith.mulf %sub3A_119, %sub3A_119 : vector<16xf32>
      %mul3A_122 = arith.mulf %sub3A_120, %sub3A_120 : vector<16xf32>
      %add3A_123 = arith.addf %mul3A_121, %mul3A_122 : vector<16xf32>
      %swap3A_124 = arith.constant 16 : index
      %swap3A_125 = tpu.vector_load %arg9[%swap3A_124] {strides = array<i32>} : memref<128xf32, #tpu.memory_space<vmem>>, vector<16xf32>,
      tpu.vector_store %arg9[%swap3A_124], %add3A_123 {strides = array<i32>} : memref<128xf32, #tpu.memory_space<vmem>>, vector<16xf32>,
      %get3A_126 = arith.constant 32 : index
      %get3A_127 = tpu.vector_load %arg8[%get3A_126] {strides = array<i32>} : memref<256xi32, #tpu.memory_space<vmem>>, vector<16xi32>,
      %get3A_128 = arith.constant 160 : index
      %get3A_129 = tpu.vector_load %arg8[%get3A_128] {strides = array<i32>} : memref<256xi32, #tpu.memory_space<vmem>>, vector<16xi32>,
      %mul3A_130 = arith.constant 2 : i32
      %mul3A_131 = vector.broadcast %mul3A_130 : i32 to vector<16xi32>
      %mul3A_132 = arith.muli %mul3A_131, %get3A_127 : vector<16xi32>
      %gather3A_133 = tpu.vector_load_idx %arg5[%mul3A_132] : memref<20000xf32, #tpu.memory_space<vmem>>[vector<16xi32>], vector<16xf32>,
      %mul3A_134 = arith.constant 2 : i32
      %mul3A_135 = vector.broadcast %mul3A_134 : i32 to vector<16xi32>
      %mul3A_136 = arith.muli %mul3A_135, %get3A_127 : vector<16xi32>
      %add3A_137 = arith.constant 1 : i32
      %add3A_138 = vector.broadcast %add3A_137 : i32 to vector<16xi32>
      %add3A_139 = arith.addi %mul3A_136, %add3A_138 : vector<16xi32>
      %gather3A_140 = tpu.vector_load_idx %arg5[%add3A_139] : memref<20000xf32, #tpu.memory_space<vmem>>[vector<16xi32>], vector<16xf32>,
      %mul3A_141 = arith.constant 2 : i32
      %mul3A_142 = vector.broadcast %mul3A_141 : i32 to vector<16xi32>
      %mul3A_143 = arith.muli %mul3A_142, %get3A_129 : vector<16xi32>
      %gather3A_144 = tpu.vector_load_idx %arg5[%mul3A_143] : memref<20000xf32, #tpu.memory_space<vmem>>[vector<16xi32>], vector<16xf32>,
      %mul3A_145 = arith.constant 2 : i32
      %mul3A_146 = vector.broadcast %mul3A_145 : i32 to vector<16xi32>
      %mul3A_147 = arith.muli %mul3A_146, %get3A_129 : vector<16xi32>
      %add3A_148 = arith.constant 1 : i32
      %add3A_149 = vector.broadcast %add3A_148 : i32 to vector<16xi32>
      %add3A_150 = arith.addi %mul3A_147, %add3A_149 : vector<16xi32>
      %gather3A_151 = tpu.vector_load_idx %arg5[%add3A_150] : memref<20000xf32, #tpu.memory_space<vmem>>[vector<16xi32>], vector<16xf32>,
      %sub3A_152 = arith.subf %gather3A_133, %gather3A_144 : vector<16xf32>
      %sub3A_153 = arith.subf %gather3A_140, %gather3A_151 : vector<16xf32>
      %mul3A_154 = arith.mulf %sub3A_152, %sub3A_152 : vector<16xf32>
      %mul3A_155 = arith.mulf %sub3A_153, %sub3A_153 : vector<16xf32>
      %add3A_156 = arith.addf %mul3A_154, %mul3A_155 : vector<16xf32>
      %swap3A_157 = arith.constant 32 : index
      %swap3A_158 = tpu.vector_load %arg9[%swap3A_157] {strides = array<i32>} : memref<128xf32, #tpu.memory_space<vmem>>, vector<16xf32>,
      tpu.vector_store %arg9[%swap3A_157], %add3A_156 {strides = array<i32>} : memref<128xf32, #tpu.memory_space<vmem>>, vector<16xf32>,
      %get3A_159 = arith.constant 48 : index
      %get3A_160 = tpu.vector_load %arg8[%get3A_159] {strides = array<i32>} : memref<256xi32, #tpu.memory_space<vmem>>, vector<16xi32>,
      %get3A_161 = arith.constant 176 : index
      %get3A_162 = tpu.vector_load %arg8[%get3A_161] {strides = array<i32>} : memref<256xi32, #tpu.memory_space<vmem>>, vector<16xi32>,
      %mul3A_163 = arith.constant 2 : i32
      %mul3A_164 = vector.broadcast %mul3A_163 : i32 to vector<16xi32>
      %mul3A_165 = arith.muli %mul3A_164, %get3A_160 : vector<16xi32>
      %gather3A_166 = tpu.vector_load_idx %arg5[%mul3A_165] : memref<20000xf32, #tpu.memory_space<vmem>>[vector<16xi32>], vector<16xf32>,
      %mul3A_167 = arith.constant 2 : i32
      %mul3A_168 = vector.broadcast %mul3A_167 : i32 to vector<16xi32>
      %mul3A_169 = arith.muli %mul3A_168, %get3A_160 : vector<16xi32>
      %add3A_170 = arith.constant 1 : i32
      %add3A_171 = vector.broadcast %add3A_170 : i32 to vector<16xi32>
      %add3A_172 = arith.addi %mul3A_169, %add3A_171 : vector<16xi32>
      %gather3A_173 = tpu.vector_load_idx %arg5[%add3A_172] : memref<20000xf32, #tpu.memory_space<vmem>>[vector<16xi32>], vector<16xf32>,
      %mul3A_174 = arith.constant 2 : i32
      %mul3A_175 = vector.broadcast %mul3A_174 : i32 to vector<16xi32>
      %mul3A_176 = arith.muli %mul3A_175, %get3A_162 : vector<16xi32>
      %gather3A_177 = tpu.vector_load_idx %arg5[%mul3A_176] : memref<20000xf32, #tpu.memory_space<vmem>>[vector<16xi32>], vector<16xf32>,
      %mul3A_178 = arith.constant 2 : i32
      %mul3A_179 = vector.broadcast %mul3A_178 : i32 to vector<16xi32>
      %mul3A_180 = arith.muli %mul3A_179, %get3A_162 : vector<16xi32>
      %add3A_181 = arith.constant 1 : i32
      %add3A_182 = vector.broadcast %add3A_181 : i32 to vector<16xi32>
      %add3A_183 = arith.addi %mul3A_180, %add3A_182 : vector<16xi32>
      %gather3A_184 = tpu.vector_load_idx %arg5[%add3A_183] : memref<20000xf32, #tpu.memory_space<vmem>>[vector<16xi32>], vector<16xf32>,
      %sub3A_185 = arith.subf %gather3A_166, %gather3A_177 : vector<16xf32>
      %sub3A_186 = arith.subf %gather3A_173, %gather3A_184 : vector<16xf32>
      %mul3A_187 = arith.mulf %sub3A_185, %sub3A_185 : vector<16xf32>
      %mul3A_188 = arith.mulf %sub3A_186, %sub3A_186 : vector<16xf32>
      %add3A_189 = arith.addf %mul3A_187, %mul3A_188 : vector<16xf32>
      %swap3A_190 = arith.constant 48 : index
      %swap3A_191 = tpu.vector_load %arg9[%swap3A_190] {strides = array<i32>} : memref<128xf32, #tpu.memory_space<vmem>>, vector<16xf32>,
      tpu.vector_store %arg9[%swap3A_190], %add3A_189 {strides = array<i32>} : memref<128xf32, #tpu.memory_space<vmem>>, vector<16xf32>,
      %get3A_192 = arith.constant 64 : index
      %get3A_193 = tpu.vector_load %arg8[%get3A_192] {strides = array<i32>} : memref<256xi32, #tpu.memory_space<vmem>>, vector<16xi32>,
      %get3A_194 = arith.constant 192 : index
      %get3A_195 = tpu.vector_load %arg8[%get3A_194] {strides = array<i32>} : memref<256xi32, #tpu.memory_space<vmem>>, vector<16xi32>,
      %mul3A_196 = arith.constant 2 : i32
      %mul3A_197 = vector.broadcast %mul3A_196 : i32 to vector<16xi32>
      %mul3A_198 = arith.muli %mul3A_197, %get3A_193 : vector<16xi32>
      %gather3A_199 = tpu.vector_load_idx %arg5[%mul3A_198] : memref<20000xf32, #tpu.memory_space<vmem>>[vector<16xi32>], vector<16xf32>,
      %mul3A_200 = arith.constant 2 : i32
      %mul3A_201 = vector.broadcast %mul3A_200 : i32 to vector<16xi32>
      %mul3A_202 = arith.muli %mul3A_201, %get3A_193 : vector<16xi32>
      %add3A_203 = arith.constant 1 : i32
      %add3A_204 = vector.broadcast %add3A_203 : i32 to vector<16xi32>
      %add3A_205 = arith.addi %mul3A_202, %add3A_204 : vector<16xi32>
      %gather3A_206 = tpu.vector_load_idx %arg5[%add3A_205] : memref<20000xf32, #tpu.memory_space<vmem>>[vector<16xi32>], vector<16xf32>,
      %mul3A_207 = arith.constant 2 : i32
      %mul3A_208 = vector.broadcast %mul3A_207 : i32 to vector<16xi32>
      %mul3A_209 = arith.muli %mul3A_208, %get3A_195 : vector<16xi32>
      %gather3A_210 = tpu.vector_load_idx %arg5[%mul3A_209] : memref<20000xf32, #tpu.memory_space<vmem>>[vector<16xi32>], vector<16xf32>,
      %mul3A_211 = arith.constant 2 : i32
      %mul3A_212 = vector.broadcast %mul3A_211 : i32 to vector<16xi32>
      %mul3A_213 = arith.muli %mul3A_212, %get3A_195 : vector<16xi32>
      %add3A_214 = arith.constant 1 : i32
      %add3A_215 = vector.broadcast %add3A_214 : i32 to vector<16xi32>
      %add3A_216 = arith.addi %mul3A_213, %add3A_215 : vector<16xi32>
      %gather3A_217 = tpu.vector_load_idx %arg5[%add3A_216] : memref<20000xf32, #tpu.memory_space<vmem>>[vector<16xi32>], vector<16xf32>,
      %sub3A_218 = arith.subf %gather3A_199, %gather3A_210 : vector<16xf32>
      %sub3A_219 = arith.subf %gather3A_206, %gather3A_217 : vector<16xf32>
      %mul3A_220 = arith.mulf %sub3A_218, %sub3A_218 : vector<16xf32>
      %mul3A_221 = arith.mulf %sub3A_219, %sub3A_219 : vector<16xf32>
      %add3A_222 = arith.addf %mul3A_220, %mul3A_221 : vector<16xf32>
      %swap3A_223 = arith.constant 64 : index
      %swap3A_224 = tpu.vector_load %arg9[%swap3A_223] {strides = array<i32>} : memref<128xf32, #tpu.memory_space<vmem>>, vector<16xf32>,
      tpu.vector_store %arg9[%swap3A_223], %add3A_222 {strides = array<i32>} : memref<128xf32, #tpu.memory_space<vmem>>, vector<16xf32>,
      %get3A_225 = arith.constant 80 : index
      %get3A_226 = tpu.vector_load %arg8[%get3A_225] {strides = array<i32>} : memref<256xi32, #tpu.memory_space<vmem>>, vector<16xi32>,
      %get3A_227 = arith.constant 208 : index
      %get3A_228 = tpu.vector_load %arg8[%get3A_227] {strides = array<i32>} : memref<256xi32, #tpu.memory_space<vmem>>, vector<16xi32>,
      %mul3A_229 = arith.constant 2 : i32
      %mul3A_230 = vector.broadcast %mul3A_229 : i32 to vector<16xi32>
      %mul3A_231 = arith.muli %mul3A_230, %get3A_226 : vector<16xi32>
      %gather3A_232 = tpu.vector_load_idx %arg5[%mul3A_231] : memref<20000xf32, #tpu.memory_space<vmem>>[vector<16xi32>], vector<16xf32>,
      %mul3A_233 = arith.constant 2 : i32
      %mul3A_234 = vector.broadcast %mul3A_233 : i32 to vector<16xi32>
      %mul3A_235 = arith.muli %mul3A_234, %get3A_226 : vector<16xi32>
      %add3A_236 = arith.constant 1 : i32
      %add3A_237 = vector.broadcast %add3A_236 : i32 to vector<16xi32>
      %add3A_238 = arith.addi %mul3A_235, %add3A_237 : vector<16xi32>
      %gather3A_239 = tpu.vector_load_idx %arg5[%add3A_238] : memref<20000xf32, #tpu.memory_space<vmem>>[vector<16xi32>], vector<16xf32>,
      %mul3A_240 = arith.constant 2 : i32
      %mul3A_241 = vector.broadcast %mul3A_240 : i32 to vector<16xi32>
      %mul3A_242 = arith.muli %mul3A_241, %get3A_228 : vector<16xi32>
      %gather3A_243 = tpu.vector_load_idx %arg5[%mul3A_242] : memref<20000xf32, #tpu.memory_space<vmem>>[vector<16xi32>], vector<16xf32>,
      %mul3A_244 = arith.constant 2 : i32
      %mul3A_245 = vector.broadcast %mul3A_244 : i32 to vector<16xi32>
      %mul3A_246 = arith.muli %mul3A_245, %get3A_228 : vector<16xi32>
      %add3A_247 = arith.constant 1 : i32
      %add3A_248 = vector.broadcast %add3A_247 : i32 to vector<16xi32>
      %add3A_249 = arith.addi %mul3A_246, %add3A_248 : vector<16xi32>
      %gather3A_250 = tpu.vector_load_idx %arg5[%add3A_249] : memref<20000xf32, #tpu.memory_space<vmem>>[vector<16xi32>], vector<16xf32>,
      %sub3A_251 = arith.subf %gather3A_232, %gather3A_243 : vector<16xf32>
      %sub3A_252 = arith.subf %gather3A_239, %gather3A_250 : vector<16xf32>
      %mul3A_253 = arith.mulf %sub3A_251, %sub3A_251 : vector<16xf32>
      %mul3A_254 = arith.mulf %sub3A_252, %sub3A_252 : vector<16xf32>
      %add3A_255 = arith.addf %mul3A_253, %mul3A_254 : vector<16xf32>
      %swap3A_256 = arith.constant 80 : index
      %swap3A_257 = tpu.vector_load %arg9[%swap3A_256] {strides = array<i32>} : memref<128xf32, #tpu.memory_space<vmem>>, vector<16xf32>,
      tpu.vector_store %arg9[%swap3A_256], %add3A_255 {strides = array<i32>} : memref<128xf32, #tpu.memory_space<vmem>>, vector<16xf32>,
      %get3A_258 = arith.constant 96 : index
      %get3A_259 = tpu.vector_load %arg8[%get3A_258] {strides = array<i32>} : memref<256xi32, #tpu.memory_space<vmem>>, vector<16xi32>,
      %get3A_260 = arith.constant 224 : index
      %get3A_261 = tpu.vector_load %arg8[%get3A_260] {strides = array<i32>} : memref<256xi32, #tpu.memory_space<vmem>>, vector<16xi32>,
      %mul3A_262 = arith.constant 2 : i32
      %mul3A_263 = vector.broadcast %mul3A_262 : i32 to vector<16xi32>
      %mul3A_264 = arith.muli %mul3A_263, %get3A_259 : vector<16xi32>
      %gather3A_265 = tpu.vector_load_idx %arg5[%mul3A_264] : memref<20000xf32, #tpu.memory_space<vmem>>[vector<16xi32>], vector<16xf32>,
      %mul3A_266 = arith.constant 2 : i32
      %mul3A_267 = vector.broadcast %mul3A_266 : i32 to vector<16xi32>
      %mul3A_268 = arith.muli %mul3A_267, %get3A_259 : vector<16xi32>
      %add3A_269 = arith.constant 1 : i32
      %add3A_270 = vector.broadcast %add3A_269 : i32 to vector<16xi32>
      %add3A_271 = arith.addi %mul3A_268, %add3A_270 : vector<16xi32>
      %gather3A_272 = tpu.vector_load_idx %arg5[%add3A_271] : memref<20000xf32, #tpu.memory_space<vmem>>[vector<16xi32>], vector<16xf32>,
      %mul3A_273 = arith.constant 2 : i32
      %mul3A_274 = vector.broadcast %mul3A_273 : i32 to vector<16xi32>
      %mul3A_275 = arith.muli %mul3A_274, %get3A_261 : vector<16xi32>
      %gather3A_276 = tpu.vector_load_idx %arg5[%mul3A_275] : memref<20000xf32, #tpu.memory_space<vmem>>[vector<16xi32>], vector<16xf32>,
      %mul3A_277 = arith.constant 2 : i32
      %mul3A_278 = vector.broadcast %mul3A_277 : i32 to vector<16xi32>
      %mul3A_279 = arith.muli %mul3A_278, %get3A_261 : vector<16xi32>
      %add3A_280 = arith.constant 1 : i32
      %add3A_281 = vector.broadcast %add3A_280 : i32 to vector<16xi32>
      %add3A_282 = arith.addi %mul3A_279, %add3A_281 : vector<16xi32>
      %gather3A_283 = tpu.vector_load_idx %arg5[%add3A_282] : memref<20000xf32, #tpu.memory_space<vmem>>[vector<16xi32>], vector<16xf32>,
      %sub3A_284 = arith.subf %gather3A_265, %gather3A_276 : vector<16xf32>
      %sub3A_285 = arith.subf %gather3A_272, %gather3A_283 : vector<16xf32>
      %mul3A_286 = arith.mulf %sub3A_284, %sub3A_284 : vector<16xf32>
      %mul3A_287 = arith.mulf %sub3A_285, %sub3A_285 : vector<16xf32>
      %add3A_288 = arith.addf %mul3A_286, %mul3A_287 : vector<16xf32>
      %swap3A_289 = arith.constant 96 : index
      %swap3A_290 = tpu.vector_load %arg9[%swap3A_289] {strides = array<i32>} : memref<128xf32, #tpu.memory_space<vmem>>, vector<16xf32>,
      tpu.vector_store %arg9[%swap3A_289], %add3A_288 {strides = array<i32>} : memref<128xf32, #tpu.memory_space<vmem>>, vector<16xf32>,
      %get3A_291 = arith.constant 112 : index
      %get3A_292 = tpu.vector_load %arg8[%get3A_291] {strides = array<i32>} : memref<256xi32, #tpu.memory_space<vmem>>, vector<16xi32>,
      %get3A_293 = arith.constant 240 : index
      %get3A_294 = tpu.vector_load %arg8[%get3A_293] {strides = array<i32>} : memref<256xi32, #tpu.memory_space<vmem>>, vector<16xi32>,
      %mul3A_295 = arith.constant 2 : i32
      %mul3A_296 = vector.broadcast %mul3A_295 : i32 to vector<16xi32>
      %mul3A_297 = arith.muli %mul3A_296, %get3A_292 : vector<16xi32>
      %gather3A_298 = tpu.vector_load_idx %arg5[%mul3A_297] : memref<20000xf32, #tpu.memory_space<vmem>>[vector<16xi32>], vector<16xf32>,
      %mul3A_299 = arith.constant 2 : i32
      %mul3A_300 = vector.broadcast %mul3A_299 : i32 to vector<16xi32>
      %mul3A_301 = arith.muli %mul3A_300, %get3A_292 : vector<16xi32>
      %add3A_302 = arith.constant 1 : i32
      %add3A_303 = vector.broadcast %add3A_302 : i32 to vector<16xi32>
      %add3A_304 = arith.addi %mul3A_301, %add3A_303 : vector<16xi32>
      %gather3A_305 = tpu.vector_load_idx %arg5[%add3A_304] : memref<20000xf32, #tpu.memory_space<vmem>>[vector<16xi32>], vector<16xf32>,
      %mul3A_306 = arith.constant 2 : i32
      %mul3A_307 = vector.broadcast %mul3A_306 : i32 to vector<16xi32>
      %mul3A_308 = arith.muli %mul3A_307, %get3A_294 : vector<16xi32>
      %gather3A_309 = tpu.vector_load_idx %arg5[%mul3A_308] : memref<20000xf32, #tpu.memory_space<vmem>>[vector<16xi32>], vector<16xf32>,
      %mul3A_310 = arith.constant 2 : i32
      %mul3A_311 = vector.broadcast %mul3A_310 : i32 to vector<16xi32>
      %mul3A_312 = arith.muli %mul3A_311, %get3A_294 : vector<16xi32>
      %add3A_313 = arith.constant 1 : i32
      %add3A_314 = vector.broadcast %add3A_313 : i32 to vector<16xi32>
      %add3A_315 = arith.addi %mul3A_312, %add3A_314 : vector<16xi32>
      %gather3A_316 = tpu.vector_load_idx %arg5[%add3A_315] : memref<20000xf32, #tpu.memory_space<vmem>>[vector<16xi32>], vector<16xf32>,
      %sub3A_317 = arith.subf %gather3A_298, %gather3A_309 : vector<16xf32>
      %sub3A_318 = arith.subf %gather3A_305, %gather3A_316 : vector<16xf32>
      %mul3A_319 = arith.mulf %sub3A_317, %sub3A_317 : vector<16xf32>
      %mul3A_320 = arith.mulf %sub3A_318, %sub3A_318 : vector<16xf32>
      %add3A_321 = arith.addf %mul3A_319, %mul3A_320 : vector<16xf32>
      %swap3A_322 = arith.constant 112 : index
      %swap3A_323 = tpu.vector_load %arg9[%swap3A_322] {strides = array<i32>} : memref<128xf32, #tpu.memory_space<vmem>>, vector<16xf32>,
      tpu.vector_store %arg9[%swap3A_322], %add3A_321 {strides = array<i32>} : memref<128xf32, #tpu.memory_space<vmem>>, vector<16xf32>,
      %mul3A_324 = arith.constant 128 : i32
      %mul3A_325 = arith.muli %add3A_58, %mul3A_324 : i32
      "tpu.region"() ({
        %run_scoped3A = tpu.sem_alloc : memref<!tpu.dma_semaphore, #tpu.memory_space<semaphore_mem>>
        %dma_start3A = tpu.memref_slice %arg4[%mul3A_325] : memref<320000xf32, #tpu.memory_space<hbm>> -> memref<128xf32, #tpu.memory_space<hbm>>
        %dma_start3A_326 = tpu.memref_slice %arg4[%mul3A_325] : memref<320000xf32, #tpu.memory_space<hbm>> -> memref<128xf32, #tpu.memory_space<hbm>>
        tpu.enqueue_dma source(%arg9 : memref<128xf32, #tpu.memory_space<vmem>>) target(%dma_start3A_326 : memref<128xf32, #tpu.memory_space<hbm>>) target_semaphore(%run_scoped3A : memref<!tpu.dma_semaphore, #tpu.memory_space<semaphore_mem>>)
        %dma_wait3A = tpu.memref_slice %arg4[%mul3A_325] : memref<320000xf32, #tpu.memory_space<hbm>> -> memref<128xf32, #tpu.memory_space<hbm>>
        %dma_wait3A_327 = tpu.memref_slice %arg4[%mul3A_325] : memref<320000xf32, #tpu.memory_space<hbm>> -> memref<128xf32, #tpu.memory_space<hbm>>
        tpu.wait_dma2 semaphore(%run_scoped3A : memref<!tpu.dma_semaphore, #tpu.memory_space<semaphore_mem>>) src(%arg9 : memref<128xf32, #tpu.memory_space<vmem>>) dst(%dma_wait3A_327 : memref<128xf32, #tpu.memory_space<hbm>>)
        tpu.yield
      }) : () -> ()
    } else {
    }
    return
  }
}

#map = affine_map<(d0, d1) -> (0)>
module attributes {stable_mosaic.version = 14 : i64} {
  func.func @k(%arg0: i32, %arg1: i32, %arg2: memref<40000xf32, #tpu.memory_space<hbm>>, %arg3: memref<640000xi32, #tpu.memory_space<hbm>>, %arg4: memref<320000xf32, #tpu.memory_space<hbm>>, %arg5: memref<20000xf32, #tpu.memory_space<vmem>>, %arg6: memref<19968xi32, #tpu.memory_space<vmem>>, %arg7: memref<9984xf32, #tpu.memory_space<vmem>>, %arg8: memref<256xi32, #tpu.memory_space<vmem>>, %arg9: memref<128xf32, #tpu.memory_space<vmem>>) attributes {dimension_semantics = [#tpu.dimension_semantics<core_parallel>, #tpu.dimension_semantics<subcore_parallel>], iteration_bounds = array<i64: 2, 16>, scalar_prefetch = 0 : i64, scratch_operands = 5 : i64, tpu.core_type = #tpu.core_type<sc_vector_subcore>, window_params = [{transform_indices = #map}, {transform_indices = #map}, {transform_indices = #map}]} {
    %mul3A = arith.constant 2 : i32
    %mul3A_0 = arith.muli %arg1, %mul3A : i32
    %add3A = arith.addi %mul3A_0, %arg0 : i32
    %jit3A = arith.constant 16 : i32
    %div3A = arith.divsi %add3A, %jit3A : i32
    %sign3A = arith.constant 0 : i32
    %sign3A_1 = arith.cmpi sgt, %add3A, %sign3A : i32
    %sign3A_2 = arith.extui %sign3A_1 : i1 to i32
    %sign3A_3 = arith.constant 0 : i32
    %sign3A_4 = arith.cmpi slt, %add3A, %sign3A_3 : i32
    %sign3A_5 = arith.extui %sign3A_4 : i1 to i32
    %sign3A_6 = arith.subi %sign3A_2, %sign3A_5 : i32
    %sign3A_7 = arith.constant 0 : i32
    %sign3A_8 = arith.cmpi sgt, %jit3A, %sign3A_7 : i32
    %sign3A_9 = arith.extui %sign3A_8 : i1 to i32
    %sign3A_10 = arith.constant 0 : i32
    %sign3A_11 = arith.cmpi slt, %jit3A, %sign3A_10 : i32
    %sign3A_12 = arith.extui %sign3A_11 : i1 to i32
    %sign3A_13 = arith.subi %sign3A_9, %sign3A_12 : i32
    %ne3A = arith.cmpi ne, %sign3A_6, %sign3A_13 : i32
    %rem3A = arith.remsi %add3A, %jit3A : i32
    %ne3A_14 = arith.constant 0 : i32
    %ne3A_15 = arith.cmpi ne, %rem3A, %ne3A_14 : i32
    %and3A = arith.andi %ne3A, %ne3A_15 : i1
    %sub3A = arith.constant 1 : i32
    %sub3A_16 = arith.subi %div3A, %sub3A : i32
    %select_n3A = arith.select %and3A, %sub3A_16, %div3A : i32
    %jit3A_17 = arith.constant 16 : i32
    %eq3A = arith.constant 0 : i32
    %eq3A_18 = arith.cmpi eq, %jit3A_17, %eq3A : i32
    %jit3A_19 = arith.constant 1 : i32
    %select_n3A_20 = arith.select %eq3A_18, %jit3A_19, %jit3A_17 : i32
    %rem3A_21 = arith.remsi %add3A, %select_n3A_20 : i32
    %ne3A_22 = arith.constant 0 : i32
    %ne3A_23 = arith.cmpi ne, %rem3A_21, %ne3A_22 : i32
    %lt3A = arith.constant 0 : i32
    %lt3A_24 = arith.cmpi slt, %rem3A_21, %lt3A : i32
    %lt3A_25 = arith.constant 0 : i32
    %lt3A_26 = arith.cmpi slt, %select_n3A_20, %lt3A_25 : i32
    %ne3A_27 = arith.xori %lt3A_24, %lt3A_26 : i1
    %and3A_28 = arith.andi %ne3A_27, %ne3A_23 : i1
    %add3A_29 = arith.addi %rem3A_21, %select_n3A_20 : i32
    %select_n3A_30 = arith.select %and3A_28, %add3A_29, %rem3A_21 : i32
    %mul3A_31 = arith.constant 1250 : i32
    %mul3A_32 = arith.muli %select_n3A, %mul3A_31 : i32
    %mul3A_33 = arith.constant 78 : i32
    %mul3A_34 = arith.muli %select_n3A_30, %mul3A_33 : i32
    %add3A_35 = arith.addi %mul3A_32, %mul3A_34 : i32
    %mul3A_36 = arith.constant 2 : i32
    %mul3A_37 = arith.muli %select_n3A, %mul3A_36 : i32
    %mul3A_38 = arith.constant 10000 : i32
    %mul3A_39 = arith.muli %mul3A_37, %mul3A_38 : i32
    "tpu.region"() ({
      %run_scoped3A = tpu.sem_alloc : memref<!tpu.dma_semaphore, #tpu.memory_space<semaphore_mem>>
      %dma_start3A = tpu.memref_slice %arg2[%mul3A_39] : memref<40000xf32, #tpu.memory_space<hbm>> -> memref<20000xf32, #tpu.memory_space<hbm>>
      %dma_start3A_54 = tpu.memref_slice %arg2[%mul3A_39] : memref<40000xf32, #tpu.memory_space<hbm>> -> memref<20000xf32, #tpu.memory_space<hbm>>
      tpu.enqueue_dma source(%dma_start3A_54 : memref<20000xf32, #tpu.memory_space<hbm>>) target(%arg5 : memref<20000xf32, #tpu.memory_space<vmem>>) target_semaphore(%run_scoped3A : memref<!tpu.dma_semaphore, #tpu.memory_space<semaphore_mem>>)
      %dma_wait3A = tpu.memref_slice %arg2[%mul3A_39] : memref<40000xf32, #tpu.memory_space<hbm>> -> memref<20000xf32, #tpu.memory_space<hbm>>
      %dma_wait3A_55 = tpu.memref_slice %arg2[%mul3A_39] : memref<40000xf32, #tpu.memory_space<hbm>> -> memref<20000xf32, #tpu.memory_space<hbm>>
      tpu.wait_dma2 semaphore(%run_scoped3A : memref<!tpu.dma_semaphore, #tpu.memory_space<semaphore_mem>>) src(%dma_wait3A_55 : memref<20000xf32, #tpu.memory_space<hbm>>) dst(%arg5 : memref<20000xf32, #tpu.memory_space<vmem>>)
      tpu.yield
    }) : () -> ()
    %mul3A_40 = arith.constant 2 : i32
    %mul3A_41 = arith.muli %add3A_35, %mul3A_40 : i32
    %mul3A_42 = arith.constant 128 : i32
    %mul3A_43 = arith.muli %mul3A_41, %mul3A_42 : i32
    "tpu.region"() ({
      %run_scoped3A = tpu.sem_alloc : memref<!tpu.dma_semaphore, #tpu.memory_space<semaphore_mem>>
      %dma_start3A = tpu.memref_slice %arg3[%mul3A_43] : memref<640000xi32, #tpu.memory_space<hbm>> -> memref<19968xi32, #tpu.memory_space<hbm>>
      %dma_start3A_54 = tpu.memref_slice %arg3[%mul3A_43] : memref<640000xi32, #tpu.memory_space<hbm>> -> memref<19968xi32, #tpu.memory_space<hbm>>
      tpu.enqueue_dma source(%dma_start3A_54 : memref<19968xi32, #tpu.memory_space<hbm>>) target(%arg6 : memref<19968xi32, #tpu.memory_space<vmem>>) target_semaphore(%run_scoped3A : memref<!tpu.dma_semaphore, #tpu.memory_space<semaphore_mem>>)
      %dma_wait3A = tpu.memref_slice %arg3[%mul3A_43] : memref<640000xi32, #tpu.memory_space<hbm>> -> memref<19968xi32, #tpu.memory_space<hbm>>
      %dma_wait3A_55 = tpu.memref_slice %arg3[%mul3A_43] : memref<640000xi32, #tpu.memory_space<hbm>> -> memref<19968xi32, #tpu.memory_space<hbm>>
      tpu.wait_dma2 semaphore(%run_scoped3A : memref<!tpu.dma_semaphore, #tpu.memory_space<semaphore_mem>>) src(%dma_wait3A_55 : memref<19968xi32, #tpu.memory_space<hbm>>) dst(%arg6 : memref<19968xi32, #tpu.memory_space<vmem>>)
      tpu.yield
    }) : () -> ()
    %scan3A = arith.constant 0 : i32
    %scan3A_44 = arith.constant 0 : i32
    %scan3A_45 = arith.constant 78 : i32
    %scan3A_46 = arith.addi %scan3A_44, %scan3A_45 : i32
    %scan3A_47 = arith.constant 1 : i32
    scf.for %scan3A_54 = %scan3A_44 to %scan3A_46 step %scan3A_47  : i32 {
      %mul3A_55 = arith.constant 2 : i32
      %mul3A_56 = arith.muli %scan3A_54, %mul3A_55 : i32
      %mul3A_57 = arith.constant 128 : i32
      %mul3A_58 = arith.muli %mul3A_56, %mul3A_57 : i32
      %mul3A_59 = arith.constant 128 : i32
      %mul3A_60 = arith.muli %scan3A_54, %mul3A_59 : i32
      %add3A_61 = arith.constant 0 : i32
      %add3A_62 = arith.addi %mul3A_58, %add3A_61 : i32
      %get3A = arith.index_cast %add3A_62 : i32 to index
      %get3A_63 = tpu.vector_load %arg6[%get3A] {strides = array<i32>} : memref<19968xi32, #tpu.memory_space<vmem>>, vector<16xi32>,
      %add3A_64 = arith.constant 128 : i32
      %add3A_65 = arith.addi %mul3A_58, %add3A_64 : i32
      %add3A_66 = arith.constant 0 : i32
      %add3A_67 = arith.addi %add3A_65, %add3A_66 : i32
      %get3A_68 = arith.index_cast %add3A_67 : i32 to index
      %get3A_69 = tpu.vector_load %arg6[%get3A_68] {strides = array<i32>} : memref<19968xi32, #tpu.memory_space<vmem>>, vector<16xi32>,
      %mul3A_70 = arith.constant 2 : i32
      %mul3A_71 = vector.broadcast %mul3A_70 : i32 to vector<16xi32>
      %mul3A_72 = arith.muli %mul3A_71, %get3A_63 : vector<16xi32>
      %gather3A = tpu.vector_load_idx %arg5[%mul3A_72] : memref<20000xf32, #tpu.memory_space<vmem>>[vector<16xi32>], vector<16xf32>,
      %mul3A_73 = arith.constant 2 : i32
      %mul3A_74 = vector.broadcast %mul3A_73 : i32 to vector<16xi32>
      %mul3A_75 = arith.muli %mul3A_74, %get3A_63 : vector<16xi32>
      %add3A_76 = arith.constant 1 : i32
      %add3A_77 = vector.broadcast %add3A_76 : i32 to vector<16xi32>
      %add3A_78 = arith.addi %mul3A_75, %add3A_77 : vector<16xi32>
      %gather3A_79 = tpu.vector_load_idx %arg5[%add3A_78] : memref<20000xf32, #tpu.memory_space<vmem>>[vector<16xi32>], vector<16xf32>,
      %mul3A_80 = arith.constant 2 : i32
      %mul3A_81 = vector.broadcast %mul3A_80 : i32 to vector<16xi32>
      %mul3A_82 = arith.muli %mul3A_81, %get3A_69 : vector<16xi32>
      %gather3A_83 = tpu.vector_load_idx %arg5[%mul3A_82] : memref<20000xf32, #tpu.memory_space<vmem>>[vector<16xi32>], vector<16xf32>,
      %mul3A_84 = arith.constant 2 : i32
      %mul3A_85 = vector.broadcast %mul3A_84 : i32 to vector<16xi32>
      %mul3A_86 = arith.muli %mul3A_85, %get3A_69 : vector<16xi32>
      %add3A_87 = arith.constant 1 : i32
      %add3A_88 = vector.broadcast %add3A_87 : i32 to vector<16xi32>
      %add3A_89 = arith.addi %mul3A_86, %add3A_88 : vector<16xi32>
      %gather3A_90 = tpu.vector_load_idx %arg5[%add3A_89] : memref<20000xf32, #tpu.memory_space<vmem>>[vector<16xi32>], vector<16xf32>,
      %sub3A_91 = arith.subf %gather3A, %gather3A_83 : vector<16xf32>
      %sub3A_92 = arith.subf %gather3A_79, %gather3A_90 : vector<16xf32>
      %mul3A_93 = arith.mulf %sub3A_91, %sub3A_91 : vector<16xf32>
      %mul3A_94 = arith.mulf %sub3A_92, %sub3A_92 : vector<16xf32>
      %add3A_95 = arith.addf %mul3A_93, %mul3A_94 : vector<16xf32>
      %add3A_96 = arith.constant 0 : i32
      %add3A_97 = arith.addi %mul3A_60, %add3A_96 : i32
      %swap3A = arith.index_cast %add3A_97 : i32 to index
      %swap3A_98 = tpu.vector_load %arg7[%swap3A] {strides = array<i32>} : memref<9984xf32, #tpu.memory_space<vmem>>, vector<16xf32>,
      tpu.vector_store %arg7[%swap3A], %add3A_95 {strides = array<i32>} : memref<9984xf32, #tpu.memory_space<vmem>>, vector<16xf32>,
      %add3A_99 = arith.constant 16 : i32
      %add3A_100 = arith.addi %mul3A_58, %add3A_99 : i32
      %get3A_101 = arith.index_cast %add3A_100 : i32 to index
      %get3A_102 = tpu.vector_load %arg6[%get3A_101] {strides = array<i32>} : memref<19968xi32, #tpu.memory_space<vmem>>, vector<16xi32>,
      %add3A_103 = arith.constant 128 : i32
      %add3A_104 = arith.addi %mul3A_58, %add3A_103 : i32
      %add3A_105 = arith.constant 16 : i32
      %add3A_106 = arith.addi %add3A_104, %add3A_105 : i32
      %get3A_107 = arith.index_cast %add3A_106 : i32 to index
      %get3A_108 = tpu.vector_load %arg6[%get3A_107] {strides = array<i32>} : memref<19968xi32, #tpu.memory_space<vmem>>, vector<16xi32>,
      %mul3A_109 = arith.constant 2 : i32
      %mul3A_110 = vector.broadcast %mul3A_109 : i32 to vector<16xi32>
      %mul3A_111 = arith.muli %mul3A_110, %get3A_102 : vector<16xi32>
      %gather3A_112 = tpu.vector_load_idx %arg5[%mul3A_111] : memref<20000xf32, #tpu.memory_space<vmem>>[vector<16xi32>], vector<16xf32>,
      %mul3A_113 = arith.constant 2 : i32
      %mul3A_114 = vector.broadcast %mul3A_113 : i32 to vector<16xi32>
      %mul3A_115 = arith.muli %mul3A_114, %get3A_102 : vector<16xi32>
      %add3A_116 = arith.constant 1 : i32
      %add3A_117 = vector.broadcast %add3A_116 : i32 to vector<16xi32>
      %add3A_118 = arith.addi %mul3A_115, %add3A_117 : vector<16xi32>
      %gather3A_119 = tpu.vector_load_idx %arg5[%add3A_118] : memref<20000xf32, #tpu.memory_space<vmem>>[vector<16xi32>], vector<16xf32>,
      %mul3A_120 = arith.constant 2 : i32
      %mul3A_121 = vector.broadcast %mul3A_120 : i32 to vector<16xi32>
      %mul3A_122 = arith.muli %mul3A_121, %get3A_108 : vector<16xi32>
      %gather3A_123 = tpu.vector_load_idx %arg5[%mul3A_122] : memref<20000xf32, #tpu.memory_space<vmem>>[vector<16xi32>], vector<16xf32>,
      %mul3A_124 = arith.constant 2 : i32
      %mul3A_125 = vector.broadcast %mul3A_124 : i32 to vector<16xi32>
      %mul3A_126 = arith.muli %mul3A_125, %get3A_108 : vector<16xi32>
      %add3A_127 = arith.constant 1 : i32
      %add3A_128 = vector.broadcast %add3A_127 : i32 to vector<16xi32>
      %add3A_129 = arith.addi %mul3A_126, %add3A_128 : vector<16xi32>
      %gather3A_130 = tpu.vector_load_idx %arg5[%add3A_129] : memref<20000xf32, #tpu.memory_space<vmem>>[vector<16xi32>], vector<16xf32>,
      %sub3A_131 = arith.subf %gather3A_112, %gather3A_123 : vector<16xf32>
      %sub3A_132 = arith.subf %gather3A_119, %gather3A_130 : vector<16xf32>
      %mul3A_133 = arith.mulf %sub3A_131, %sub3A_131 : vector<16xf32>
      %mul3A_134 = arith.mulf %sub3A_132, %sub3A_132 : vector<16xf32>
      %add3A_135 = arith.addf %mul3A_133, %mul3A_134 : vector<16xf32>
      %add3A_136 = arith.constant 16 : i32
      %add3A_137 = arith.addi %mul3A_60, %add3A_136 : i32
      %swap3A_138 = arith.index_cast %add3A_137 : i32 to index
      %swap3A_139 = tpu.vector_load %arg7[%swap3A_138] {strides = array<i32>} : memref<9984xf32, #tpu.memory_space<vmem>>, vector<16xf32>,
      tpu.vector_store %arg7[%swap3A_138], %add3A_135 {strides = array<i32>} : memref<9984xf32, #tpu.memory_space<vmem>>, vector<16xf32>,
      %add3A_140 = arith.constant 32 : i32
      %add3A_141 = arith.addi %mul3A_58, %add3A_140 : i32
      %get3A_142 = arith.index_cast %add3A_141 : i32 to index
      %get3A_143 = tpu.vector_load %arg6[%get3A_142] {strides = array<i32>} : memref<19968xi32, #tpu.memory_space<vmem>>, vector<16xi32>,
      %add3A_144 = arith.constant 128 : i32
      %add3A_145 = arith.addi %mul3A_58, %add3A_144 : i32
      %add3A_146 = arith.constant 32 : i32
      %add3A_147 = arith.addi %add3A_145, %add3A_146 : i32
      %get3A_148 = arith.index_cast %add3A_147 : i32 to index
      %get3A_149 = tpu.vector_load %arg6[%get3A_148] {strides = array<i32>} : memref<19968xi32, #tpu.memory_space<vmem>>, vector<16xi32>,
      %mul3A_150 = arith.constant 2 : i32
      %mul3A_151 = vector.broadcast %mul3A_150 : i32 to vector<16xi32>
      %mul3A_152 = arith.muli %mul3A_151, %get3A_143 : vector<16xi32>
      %gather3A_153 = tpu.vector_load_idx %arg5[%mul3A_152] : memref<20000xf32, #tpu.memory_space<vmem>>[vector<16xi32>], vector<16xf32>,
      %mul3A_154 = arith.constant 2 : i32
      %mul3A_155 = vector.broadcast %mul3A_154 : i32 to vector<16xi32>
      %mul3A_156 = arith.muli %mul3A_155, %get3A_143 : vector<16xi32>
      %add3A_157 = arith.constant 1 : i32
      %add3A_158 = vector.broadcast %add3A_157 : i32 to vector<16xi32>
      %add3A_159 = arith.addi %mul3A_156, %add3A_158 : vector<16xi32>
      %gather3A_160 = tpu.vector_load_idx %arg5[%add3A_159] : memref<20000xf32, #tpu.memory_space<vmem>>[vector<16xi32>], vector<16xf32>,
      %mul3A_161 = arith.constant 2 : i32
      %mul3A_162 = vector.broadcast %mul3A_161 : i32 to vector<16xi32>
      %mul3A_163 = arith.muli %mul3A_162, %get3A_149 : vector<16xi32>
      %gather3A_164 = tpu.vector_load_idx %arg5[%mul3A_163] : memref<20000xf32, #tpu.memory_space<vmem>>[vector<16xi32>], vector<16xf32>,
      %mul3A_165 = arith.constant 2 : i32
      %mul3A_166 = vector.broadcast %mul3A_165 : i32 to vector<16xi32>
      %mul3A_167 = arith.muli %mul3A_166, %get3A_149 : vector<16xi32>
      %add3A_168 = arith.constant 1 : i32
      %add3A_169 = vector.broadcast %add3A_168 : i32 to vector<16xi32>
      %add3A_170 = arith.addi %mul3A_167, %add3A_169 : vector<16xi32>
      %gather3A_171 = tpu.vector_load_idx %arg5[%add3A_170] : memref<20000xf32, #tpu.memory_space<vmem>>[vector<16xi32>], vector<16xf32>,
      %sub3A_172 = arith.subf %gather3A_153, %gather3A_164 : vector<16xf32>
      %sub3A_173 = arith.subf %gather3A_160, %gather3A_171 : vector<16xf32>
      %mul3A_174 = arith.mulf %sub3A_172, %sub3A_172 : vector<16xf32>
      %mul3A_175 = arith.mulf %sub3A_173, %sub3A_173 : vector<16xf32>
      %add3A_176 = arith.addf %mul3A_174, %mul3A_175 : vector<16xf32>
      %add3A_177 = arith.constant 32 : i32
      %add3A_178 = arith.addi %mul3A_60, %add3A_177 : i32
      %swap3A_179 = arith.index_cast %add3A_178 : i32 to index
      %swap3A_180 = tpu.vector_load %arg7[%swap3A_179] {strides = array<i32>} : memref<9984xf32, #tpu.memory_space<vmem>>, vector<16xf32>,
      tpu.vector_store %arg7[%swap3A_179], %add3A_176 {strides = array<i32>} : memref<9984xf32, #tpu.memory_space<vmem>>, vector<16xf32>,
      %add3A_181 = arith.constant 48 : i32
      %add3A_182 = arith.addi %mul3A_58, %add3A_181 : i32
      %get3A_183 = arith.index_cast %add3A_182 : i32 to index
      %get3A_184 = tpu.vector_load %arg6[%get3A_183] {strides = array<i32>} : memref<19968xi32, #tpu.memory_space<vmem>>, vector<16xi32>,
      %add3A_185 = arith.constant 128 : i32
      %add3A_186 = arith.addi %mul3A_58, %add3A_185 : i32
      %add3A_187 = arith.constant 48 : i32
      %add3A_188 = arith.addi %add3A_186, %add3A_187 : i32
      %get3A_189 = arith.index_cast %add3A_188 : i32 to index
      %get3A_190 = tpu.vector_load %arg6[%get3A_189] {strides = array<i32>} : memref<19968xi32, #tpu.memory_space<vmem>>, vector<16xi32>,
      %mul3A_191 = arith.constant 2 : i32
      %mul3A_192 = vector.broadcast %mul3A_191 : i32 to vector<16xi32>
      %mul3A_193 = arith.muli %mul3A_192, %get3A_184 : vector<16xi32>
      %gather3A_194 = tpu.vector_load_idx %arg5[%mul3A_193] : memref<20000xf32, #tpu.memory_space<vmem>>[vector<16xi32>], vector<16xf32>,
      %mul3A_195 = arith.constant 2 : i32
      %mul3A_196 = vector.broadcast %mul3A_195 : i32 to vector<16xi32>
      %mul3A_197 = arith.muli %mul3A_196, %get3A_184 : vector<16xi32>
      %add3A_198 = arith.constant 1 : i32
      %add3A_199 = vector.broadcast %add3A_198 : i32 to vector<16xi32>
      %add3A_200 = arith.addi %mul3A_197, %add3A_199 : vector<16xi32>
      %gather3A_201 = tpu.vector_load_idx %arg5[%add3A_200] : memref<20000xf32, #tpu.memory_space<vmem>>[vector<16xi32>], vector<16xf32>,
      %mul3A_202 = arith.constant 2 : i32
      %mul3A_203 = vector.broadcast %mul3A_202 : i32 to vector<16xi32>
      %mul3A_204 = arith.muli %mul3A_203, %get3A_190 : vector<16xi32>
      %gather3A_205 = tpu.vector_load_idx %arg5[%mul3A_204] : memref<20000xf32, #tpu.memory_space<vmem>>[vector<16xi32>], vector<16xf32>,
      %mul3A_206 = arith.constant 2 : i32
      %mul3A_207 = vector.broadcast %mul3A_206 : i32 to vector<16xi32>
      %mul3A_208 = arith.muli %mul3A_207, %get3A_190 : vector<16xi32>
      %add3A_209 = arith.constant 1 : i32
      %add3A_210 = vector.broadcast %add3A_209 : i32 to vector<16xi32>
      %add3A_211 = arith.addi %mul3A_208, %add3A_210 : vector<16xi32>
      %gather3A_212 = tpu.vector_load_idx %arg5[%add3A_211] : memref<20000xf32, #tpu.memory_space<vmem>>[vector<16xi32>], vector<16xf32>,
      %sub3A_213 = arith.subf %gather3A_194, %gather3A_205 : vector<16xf32>
      %sub3A_214 = arith.subf %gather3A_201, %gather3A_212 : vector<16xf32>
      %mul3A_215 = arith.mulf %sub3A_213, %sub3A_213 : vector<16xf32>
      %mul3A_216 = arith.mulf %sub3A_214, %sub3A_214 : vector<16xf32>
      %add3A_217 = arith.addf %mul3A_215, %mul3A_216 : vector<16xf32>
      %add3A_218 = arith.constant 48 : i32
      %add3A_219 = arith.addi %mul3A_60, %add3A_218 : i32
      %swap3A_220 = arith.index_cast %add3A_219 : i32 to index
      %swap3A_221 = tpu.vector_load %arg7[%swap3A_220] {strides = array<i32>} : memref<9984xf32, #tpu.memory_space<vmem>>, vector<16xf32>,
      tpu.vector_store %arg7[%swap3A_220], %add3A_217 {strides = array<i32>} : memref<9984xf32, #tpu.memory_space<vmem>>, vector<16xf32>,
      %add3A_222 = arith.constant 64 : i32
      %add3A_223 = arith.addi %mul3A_58, %add3A_222 : i32
      %get3A_224 = arith.index_cast %add3A_223 : i32 to index
      %get3A_225 = tpu.vector_load %arg6[%get3A_224] {strides = array<i32>} : memref<19968xi32, #tpu.memory_space<vmem>>, vector<16xi32>,
      %add3A_226 = arith.constant 128 : i32
      %add3A_227 = arith.addi %mul3A_58, %add3A_226 : i32
      %add3A_228 = arith.constant 64 : i32
      %add3A_229 = arith.addi %add3A_227, %add3A_228 : i32
      %get3A_230 = arith.index_cast %add3A_229 : i32 to index
      %get3A_231 = tpu.vector_load %arg6[%get3A_230] {strides = array<i32>} : memref<19968xi32, #tpu.memory_space<vmem>>, vector<16xi32>,
      %mul3A_232 = arith.constant 2 : i32
      %mul3A_233 = vector.broadcast %mul3A_232 : i32 to vector<16xi32>
      %mul3A_234 = arith.muli %mul3A_233, %get3A_225 : vector<16xi32>
      %gather3A_235 = tpu.vector_load_idx %arg5[%mul3A_234] : memref<20000xf32, #tpu.memory_space<vmem>>[vector<16xi32>], vector<16xf32>,
      %mul3A_236 = arith.constant 2 : i32
      %mul3A_237 = vector.broadcast %mul3A_236 : i32 to vector<16xi32>
      %mul3A_238 = arith.muli %mul3A_237, %get3A_225 : vector<16xi32>
      %add3A_239 = arith.constant 1 : i32
      %add3A_240 = vector.broadcast %add3A_239 : i32 to vector<16xi32>
      %add3A_241 = arith.addi %mul3A_238, %add3A_240 : vector<16xi32>
      %gather3A_242 = tpu.vector_load_idx %arg5[%add3A_241] : memref<20000xf32, #tpu.memory_space<vmem>>[vector<16xi32>], vector<16xf32>,
      %mul3A_243 = arith.constant 2 : i32
      %mul3A_244 = vector.broadcast %mul3A_243 : i32 to vector<16xi32>
      %mul3A_245 = arith.muli %mul3A_244, %get3A_231 : vector<16xi32>
      %gather3A_246 = tpu.vector_load_idx %arg5[%mul3A_245] : memref<20000xf32, #tpu.memory_space<vmem>>[vector<16xi32>], vector<16xf32>,
      %mul3A_247 = arith.constant 2 : i32
      %mul3A_248 = vector.broadcast %mul3A_247 : i32 to vector<16xi32>
      %mul3A_249 = arith.muli %mul3A_248, %get3A_231 : vector<16xi32>
      %add3A_250 = arith.constant 1 : i32
      %add3A_251 = vector.broadcast %add3A_250 : i32 to vector<16xi32>
      %add3A_252 = arith.addi %mul3A_249, %add3A_251 : vector<16xi32>
      %gather3A_253 = tpu.vector_load_idx %arg5[%add3A_252] : memref<20000xf32, #tpu.memory_space<vmem>>[vector<16xi32>], vector<16xf32>,
      %sub3A_254 = arith.subf %gather3A_235, %gather3A_246 : vector<16xf32>
      %sub3A_255 = arith.subf %gather3A_242, %gather3A_253 : vector<16xf32>
      %mul3A_256 = arith.mulf %sub3A_254, %sub3A_254 : vector<16xf32>
      %mul3A_257 = arith.mulf %sub3A_255, %sub3A_255 : vector<16xf32>
      %add3A_258 = arith.addf %mul3A_256, %mul3A_257 : vector<16xf32>
      %add3A_259 = arith.constant 64 : i32
      %add3A_260 = arith.addi %mul3A_60, %add3A_259 : i32
      %swap3A_261 = arith.index_cast %add3A_260 : i32 to index
      %swap3A_262 = tpu.vector_load %arg7[%swap3A_261] {strides = array<i32>} : memref<9984xf32, #tpu.memory_space<vmem>>, vector<16xf32>,
      tpu.vector_store %arg7[%swap3A_261], %add3A_258 {strides = array<i32>} : memref<9984xf32, #tpu.memory_space<vmem>>, vector<16xf32>,
      %add3A_263 = arith.constant 80 : i32
      %add3A_264 = arith.addi %mul3A_58, %add3A_263 : i32
      %get3A_265 = arith.index_cast %add3A_264 : i32 to index
      %get3A_266 = tpu.vector_load %arg6[%get3A_265] {strides = array<i32>} : memref<19968xi32, #tpu.memory_space<vmem>>, vector<16xi32>,
      %add3A_267 = arith.constant 128 : i32
      %add3A_268 = arith.addi %mul3A_58, %add3A_267 : i32
      %add3A_269 = arith.constant 80 : i32
      %add3A_270 = arith.addi %add3A_268, %add3A_269 : i32
      %get3A_271 = arith.index_cast %add3A_270 : i32 to index
      %get3A_272 = tpu.vector_load %arg6[%get3A_271] {strides = array<i32>} : memref<19968xi32, #tpu.memory_space<vmem>>, vector<16xi32>,
      %mul3A_273 = arith.constant 2 : i32
      %mul3A_274 = vector.broadcast %mul3A_273 : i32 to vector<16xi32>
      %mul3A_275 = arith.muli %mul3A_274, %get3A_266 : vector<16xi32>
      %gather3A_276 = tpu.vector_load_idx %arg5[%mul3A_275] : memref<20000xf32, #tpu.memory_space<vmem>>[vector<16xi32>], vector<16xf32>,
      %mul3A_277 = arith.constant 2 : i32
      %mul3A_278 = vector.broadcast %mul3A_277 : i32 to vector<16xi32>
      %mul3A_279 = arith.muli %mul3A_278, %get3A_266 : vector<16xi32>
      %add3A_280 = arith.constant 1 : i32
      %add3A_281 = vector.broadcast %add3A_280 : i32 to vector<16xi32>
      %add3A_282 = arith.addi %mul3A_279, %add3A_281 : vector<16xi32>
      %gather3A_283 = tpu.vector_load_idx %arg5[%add3A_282] : memref<20000xf32, #tpu.memory_space<vmem>>[vector<16xi32>], vector<16xf32>,
      %mul3A_284 = arith.constant 2 : i32
      %mul3A_285 = vector.broadcast %mul3A_284 : i32 to vector<16xi32>
      %mul3A_286 = arith.muli %mul3A_285, %get3A_272 : vector<16xi32>
      %gather3A_287 = tpu.vector_load_idx %arg5[%mul3A_286] : memref<20000xf32, #tpu.memory_space<vmem>>[vector<16xi32>], vector<16xf32>,
      %mul3A_288 = arith.constant 2 : i32
      %mul3A_289 = vector.broadcast %mul3A_288 : i32 to vector<16xi32>
      %mul3A_290 = arith.muli %mul3A_289, %get3A_272 : vector<16xi32>
      %add3A_291 = arith.constant 1 : i32
      %add3A_292 = vector.broadcast %add3A_291 : i32 to vector<16xi32>
      %add3A_293 = arith.addi %mul3A_290, %add3A_292 : vector<16xi32>
      %gather3A_294 = tpu.vector_load_idx %arg5[%add3A_293] : memref<20000xf32, #tpu.memory_space<vmem>>[vector<16xi32>], vector<16xf32>,
      %sub3A_295 = arith.subf %gather3A_276, %gather3A_287 : vector<16xf32>
      %sub3A_296 = arith.subf %gather3A_283, %gather3A_294 : vector<16xf32>
      %mul3A_297 = arith.mulf %sub3A_295, %sub3A_295 : vector<16xf32>
      %mul3A_298 = arith.mulf %sub3A_296, %sub3A_296 : vector<16xf32>
      %add3A_299 = arith.addf %mul3A_297, %mul3A_298 : vector<16xf32>
      %add3A_300 = arith.constant 80 : i32
      %add3A_301 = arith.addi %mul3A_60, %add3A_300 : i32
      %swap3A_302 = arith.index_cast %add3A_301 : i32 to index
      %swap3A_303 = tpu.vector_load %arg7[%swap3A_302] {strides = array<i32>} : memref<9984xf32, #tpu.memory_space<vmem>>, vector<16xf32>,
      tpu.vector_store %arg7[%swap3A_302], %add3A_299 {strides = array<i32>} : memref<9984xf32, #tpu.memory_space<vmem>>, vector<16xf32>,
      %add3A_304 = arith.constant 96 : i32
      %add3A_305 = arith.addi %mul3A_58, %add3A_304 : i32
      %get3A_306 = arith.index_cast %add3A_305 : i32 to index
      %get3A_307 = tpu.vector_load %arg6[%get3A_306] {strides = array<i32>} : memref<19968xi32, #tpu.memory_space<vmem>>, vector<16xi32>,
      %add3A_308 = arith.constant 128 : i32
      %add3A_309 = arith.addi %mul3A_58, %add3A_308 : i32
      %add3A_310 = arith.constant 96 : i32
      %add3A_311 = arith.addi %add3A_309, %add3A_310 : i32
      %get3A_312 = arith.index_cast %add3A_311 : i32 to index
      %get3A_313 = tpu.vector_load %arg6[%get3A_312] {strides = array<i32>} : memref<19968xi32, #tpu.memory_space<vmem>>, vector<16xi32>,
      %mul3A_314 = arith.constant 2 : i32
      %mul3A_315 = vector.broadcast %mul3A_314 : i32 to vector<16xi32>
      %mul3A_316 = arith.muli %mul3A_315, %get3A_307 : vector<16xi32>
      %gather3A_317 = tpu.vector_load_idx %arg5[%mul3A_316] : memref<20000xf32, #tpu.memory_space<vmem>>[vector<16xi32>], vector<16xf32>,
      %mul3A_318 = arith.constant 2 : i32
      %mul3A_319 = vector.broadcast %mul3A_318 : i32 to vector<16xi32>
      %mul3A_320 = arith.muli %mul3A_319, %get3A_307 : vector<16xi32>
      %add3A_321 = arith.constant 1 : i32
      %add3A_322 = vector.broadcast %add3A_321 : i32 to vector<16xi32>
      %add3A_323 = arith.addi %mul3A_320, %add3A_322 : vector<16xi32>
      %gather3A_324 = tpu.vector_load_idx %arg5[%add3A_323] : memref<20000xf32, #tpu.memory_space<vmem>>[vector<16xi32>], vector<16xf32>,
      %mul3A_325 = arith.constant 2 : i32
      %mul3A_326 = vector.broadcast %mul3A_325 : i32 to vector<16xi32>
      %mul3A_327 = arith.muli %mul3A_326, %get3A_313 : vector<16xi32>
      %gather3A_328 = tpu.vector_load_idx %arg5[%mul3A_327] : memref<20000xf32, #tpu.memory_space<vmem>>[vector<16xi32>], vector<16xf32>,
      %mul3A_329 = arith.constant 2 : i32
      %mul3A_330 = vector.broadcast %mul3A_329 : i32 to vector<16xi32>
      %mul3A_331 = arith.muli %mul3A_330, %get3A_313 : vector<16xi32>
      %add3A_332 = arith.constant 1 : i32
      %add3A_333 = vector.broadcast %add3A_332 : i32 to vector<16xi32>
      %add3A_334 = arith.addi %mul3A_331, %add3A_333 : vector<16xi32>
      %gather3A_335 = tpu.vector_load_idx %arg5[%add3A_334] : memref<20000xf32, #tpu.memory_space<vmem>>[vector<16xi32>], vector<16xf32>,
      %sub3A_336 = arith.subf %gather3A_317, %gather3A_328 : vector<16xf32>
      %sub3A_337 = arith.subf %gather3A_324, %gather3A_335 : vector<16xf32>
      %mul3A_338 = arith.mulf %sub3A_336, %sub3A_336 : vector<16xf32>
      %mul3A_339 = arith.mulf %sub3A_337, %sub3A_337 : vector<16xf32>
      %add3A_340 = arith.addf %mul3A_338, %mul3A_339 : vector<16xf32>
      %add3A_341 = arith.constant 96 : i32
      %add3A_342 = arith.addi %mul3A_60, %add3A_341 : i32
      %swap3A_343 = arith.index_cast %add3A_342 : i32 to index
      %swap3A_344 = tpu.vector_load %arg7[%swap3A_343] {strides = array<i32>} : memref<9984xf32, #tpu.memory_space<vmem>>, vector<16xf32>,
      tpu.vector_store %arg7[%swap3A_343], %add3A_340 {strides = array<i32>} : memref<9984xf32, #tpu.memory_space<vmem>>, vector<16xf32>,
      %add3A_345 = arith.constant 112 : i32
      %add3A_346 = arith.addi %mul3A_58, %add3A_345 : i32
      %get3A_347 = arith.index_cast %add3A_346 : i32 to index
      %get3A_348 = tpu.vector_load %arg6[%get3A_347] {strides = array<i32>} : memref<19968xi32, #tpu.memory_space<vmem>>, vector<16xi32>,
      %add3A_349 = arith.constant 128 : i32
      %add3A_350 = arith.addi %mul3A_58, %add3A_349 : i32
      %add3A_351 = arith.constant 112 : i32
      %add3A_352 = arith.addi %add3A_350, %add3A_351 : i32
      %get3A_353 = arith.index_cast %add3A_352 : i32 to index
      %get3A_354 = tpu.vector_load %arg6[%get3A_353] {strides = array<i32>} : memref<19968xi32, #tpu.memory_space<vmem>>, vector<16xi32>,
      %mul3A_355 = arith.constant 2 : i32
      %mul3A_356 = vector.broadcast %mul3A_355 : i32 to vector<16xi32>
      %mul3A_357 = arith.muli %mul3A_356, %get3A_348 : vector<16xi32>
      %gather3A_358 = tpu.vector_load_idx %arg5[%mul3A_357] : memref<20000xf32, #tpu.memory_space<vmem>>[vector<16xi32>], vector<16xf32>,
      %mul3A_359 = arith.constant 2 : i32
      %mul3A_360 = vector.broadcast %mul3A_359 : i32 to vector<16xi32>
      %mul3A_361 = arith.muli %mul3A_360, %get3A_348 : vector<16xi32>
      %add3A_362 = arith.constant 1 : i32
      %add3A_363 = vector.broadcast %add3A_362 : i32 to vector<16xi32>
      %add3A_364 = arith.addi %mul3A_361, %add3A_363 : vector<16xi32>
      %gather3A_365 = tpu.vector_load_idx %arg5[%add3A_364] : memref<20000xf32, #tpu.memory_space<vmem>>[vector<16xi32>], vector<16xf32>,
      %mul3A_366 = arith.constant 2 : i32
      %mul3A_367 = vector.broadcast %mul3A_366 : i32 to vector<16xi32>
      %mul3A_368 = arith.muli %mul3A_367, %get3A_354 : vector<16xi32>
      %gather3A_369 = tpu.vector_load_idx %arg5[%mul3A_368] : memref<20000xf32, #tpu.memory_space<vmem>>[vector<16xi32>], vector<16xf32>,
      %mul3A_370 = arith.constant 2 : i32
      %mul3A_371 = vector.broadcast %mul3A_370 : i32 to vector<16xi32>
      %mul3A_372 = arith.muli %mul3A_371, %get3A_354 : vector<16xi32>
      %add3A_373 = arith.constant 1 : i32
      %add3A_374 = vector.broadcast %add3A_373 : i32 to vector<16xi32>
      %add3A_375 = arith.addi %mul3A_372, %add3A_374 : vector<16xi32>
      %gather3A_376 = tpu.vector_load_idx %arg5[%add3A_375] : memref<20000xf32, #tpu.memory_space<vmem>>[vector<16xi32>], vector<16xf32>,
      %sub3A_377 = arith.subf %gather3A_358, %gather3A_369 : vector<16xf32>
      %sub3A_378 = arith.subf %gather3A_365, %gather3A_376 : vector<16xf32>
      %mul3A_379 = arith.mulf %sub3A_377, %sub3A_377 : vector<16xf32>
      %mul3A_380 = arith.mulf %sub3A_378, %sub3A_378 : vector<16xf32>
      %add3A_381 = arith.addf %mul3A_379, %mul3A_380 : vector<16xf32>
      %add3A_382 = arith.constant 112 : i32
      %add3A_383 = arith.addi %mul3A_60, %add3A_382 : i32
      %swap3A_384 = arith.index_cast %add3A_383 : i32 to index
      %swap3A_385 = tpu.vector_load %arg7[%swap3A_384] {strides = array<i32>} : memref<9984xf32, #tpu.memory_space<vmem>>, vector<16xf32>,
      tpu.vector_store %arg7[%swap3A_384], %add3A_381 {strides = array<i32>} : memref<9984xf32, #tpu.memory_space<vmem>>, vector<16xf32>,
    }
    %scan3A_48 = arith.constant 78 : i32
    %mul3A_49 = arith.constant 128 : i32
    %mul3A_50 = arith.muli %add3A_35, %mul3A_49 : i32
    "tpu.region"() ({
      %run_scoped3A = tpu.sem_alloc : memref<!tpu.dma_semaphore, #tpu.memory_space<semaphore_mem>>
      %dma_start3A = tpu.memref_slice %arg4[%mul3A_50] : memref<320000xf32, #tpu.memory_space<hbm>> -> memref<9984xf32, #tpu.memory_space<hbm>>
      %dma_start3A_54 = tpu.memref_slice %arg4[%mul3A_50] : memref<320000xf32, #tpu.memory_space<hbm>> -> memref<9984xf32, #tpu.memory_space<hbm>>
      tpu.enqueue_dma source(%arg7 : memref<9984xf32, #tpu.memory_space<vmem>>) target(%dma_start3A_54 : memref<9984xf32, #tpu.memory_space<hbm>>) target_semaphore(%run_scoped3A : memref<!tpu.dma_semaphore, #tpu.memory_space<semaphore_mem>>)
      %dma_wait3A = tpu.memref_slice %arg4[%mul3A_50] : memref<320000xf32, #tpu.memory_space<hbm>> -> memref<9984xf32, #tpu.memory_space<hbm>>
      %dma_wait3A_55 = tpu.memref_slice %arg4[%mul3A_50] : memref<320000xf32, #tpu.memory_space<hbm>> -> memref<9984xf32, #tpu.memory_space<hbm>>
      tpu.wait_dma2 semaphore(%run_scoped3A : memref<!tpu.dma_semaphore, #tpu.memory_space<semaphore_mem>>) src(%arg7 : memref<9984xf32, #tpu.memory_space<vmem>>) dst(%dma_wait3A_55 : memref<9984xf32, #tpu.memory_space<hbm>>)
      tpu.yield
    }) : () -> ()
    %lt3A_51 = arith.constant 2 : i32
    %lt3A_52 = arith.cmpi slt, %select_n3A_30, %lt3A_51 : i32
    %convert_element_type3A = arith.extui %lt3A_52 : i1 to i32
    %cond3A = arith.constant 0 : i32
    %cond3A_53 = arith.cmpi ne, %convert_element_type3A, %cond3A : i32
    scf.if %cond3A_53 {
      %mul3A_54 = arith.constant 1250 : i32
      %mul3A_55 = arith.muli %select_n3A, %mul3A_54 : i32
      %add3A_56 = arith.constant 1248 : i32
      %add3A_57 = arith.addi %mul3A_55, %add3A_56 : i32
      %add3A_58 = arith.addi %add3A_57, %select_n3A_30 : i32
      %mul3A_59 = arith.constant 2 : i32
      %mul3A_60 = arith.muli %add3A_58, %mul3A_59 : i32
      %mul3A_61 = arith.constant 128 : i32
      %mul3A_62 = arith.muli %mul3A_60, %mul3A_61 : i32
      "tpu.region"() ({
        %run_scoped3A = tpu.sem_alloc : memref<!tpu.dma_semaphore, #tpu.memory_space<semaphore_mem>>
        %dma_start3A = tpu.memref_slice %arg3[%mul3A_62] : memref<640000xi32, #tpu.memory_space<hbm>> -> memref<256xi32, #tpu.memory_space<hbm>>
        %dma_start3A_326 = tpu.memref_slice %arg3[%mul3A_62] : memref<640000xi32, #tpu.memory_space<hbm>> -> memref<256xi32, #tpu.memory_space<hbm>>
        tpu.enqueue_dma source(%dma_start3A_326 : memref<256xi32, #tpu.memory_space<hbm>>) target(%arg8 : memref<256xi32, #tpu.memory_space<vmem>>) target_semaphore(%run_scoped3A : memref<!tpu.dma_semaphore, #tpu.memory_space<semaphore_mem>>)
        %dma_wait3A = tpu.memref_slice %arg3[%mul3A_62] : memref<640000xi32, #tpu.memory_space<hbm>> -> memref<256xi32, #tpu.memory_space<hbm>>
        %dma_wait3A_327 = tpu.memref_slice %arg3[%mul3A_62] : memref<640000xi32, #tpu.memory_space<hbm>> -> memref<256xi32, #tpu.memory_space<hbm>>
        tpu.wait_dma2 semaphore(%run_scoped3A : memref<!tpu.dma_semaphore, #tpu.memory_space<semaphore_mem>>) src(%dma_wait3A_327 : memref<256xi32, #tpu.memory_space<hbm>>) dst(%arg8 : memref<256xi32, #tpu.memory_space<vmem>>)
        tpu.yield
      }) : () -> ()
      %get3A = arith.constant 0 : index
      %get3A_63 = tpu.vector_load %arg8[%get3A] {strides = array<i32>} : memref<256xi32, #tpu.memory_space<vmem>>, vector<16xi32>,
      %get3A_64 = arith.constant 128 : index
      %get3A_65 = tpu.vector_load %arg8[%get3A_64] {strides = array<i32>} : memref<256xi32, #tpu.memory_space<vmem>>, vector<16xi32>,
      %mul3A_66 = arith.constant 2 : i32
      %mul3A_67 = vector.broadcast %mul3A_66 : i32 to vector<16xi32>
      %mul3A_68 = arith.muli %mul3A_67, %get3A_63 : vector<16xi32>
      %gather3A = tpu.vector_load_idx %arg5[%mul3A_68] : memref<20000xf32, #tpu.memory_space<vmem>>[vector<16xi32>], vector<16xf32>,
      %mul3A_69 = arith.constant 2 : i32
      %mul3A_70 = vector.broadcast %mul3A_69 : i32 to vector<16xi32>
      %mul3A_71 = arith.muli %mul3A_70, %get3A_63 : vector<16xi32>
      %add3A_72 = arith.constant 1 : i32
      %add3A_73 = vector.broadcast %add3A_72 : i32 to vector<16xi32>
      %add3A_74 = arith.addi %mul3A_71, %add3A_73 : vector<16xi32>
      %gather3A_75 = tpu.vector_load_idx %arg5[%add3A_74] : memref<20000xf32, #tpu.memory_space<vmem>>[vector<16xi32>], vector<16xf32>,
      %mul3A_76 = arith.constant 2 : i32
      %mul3A_77 = vector.broadcast %mul3A_76 : i32 to vector<16xi32>
      %mul3A_78 = arith.muli %mul3A_77, %get3A_65 : vector<16xi32>
      %gather3A_79 = tpu.vector_load_idx %arg5[%mul3A_78] : memref<20000xf32, #tpu.memory_space<vmem>>[vector<16xi32>], vector<16xf32>,
      %mul3A_80 = arith.constant 2 : i32
      %mul3A_81 = vector.broadcast %mul3A_80 : i32 to vector<16xi32>
      %mul3A_82 = arith.muli %mul3A_81, %get3A_65 : vector<16xi32>
      %add3A_83 = arith.constant 1 : i32
      %add3A_84 = vector.broadcast %add3A_83 : i32 to vector<16xi32>
      %add3A_85 = arith.addi %mul3A_82, %add3A_84 : vector<16xi32>
      %gather3A_86 = tpu.vector_load_idx %arg5[%add3A_85] : memref<20000xf32, #tpu.memory_space<vmem>>[vector<16xi32>], vector<16xf32>,
      %sub3A_87 = arith.subf %gather3A, %gather3A_79 : vector<16xf32>
      %sub3A_88 = arith.subf %gather3A_75, %gather3A_86 : vector<16xf32>
      %mul3A_89 = arith.mulf %sub3A_87, %sub3A_87 : vector<16xf32>
      %mul3A_90 = arith.mulf %sub3A_88, %sub3A_88 : vector<16xf32>
      %add3A_91 = arith.addf %mul3A_89, %mul3A_90 : vector<16xf32>
      %swap3A = arith.constant 0 : index
      %swap3A_92 = tpu.vector_load %arg9[%swap3A] {strides = array<i32>} : memref<128xf32, #tpu.memory_space<vmem>>, vector<16xf32>,
      tpu.vector_store %arg9[%swap3A], %add3A_91 {strides = array<i32>} : memref<128xf32, #tpu.memory_space<vmem>>, vector<16xf32>,
      %get3A_93 = arith.constant 16 : index
      %get3A_94 = tpu.vector_load %arg8[%get3A_93] {strides = array<i32>} : memref<256xi32, #tpu.memory_space<vmem>>, vector<16xi32>,
      %get3A_95 = arith.constant 144 : index
      %get3A_96 = tpu.vector_load %arg8[%get3A_95] {strides = array<i32>} : memref<256xi32, #tpu.memory_space<vmem>>, vector<16xi32>,
      %mul3A_97 = arith.constant 2 : i32
      %mul3A_98 = vector.broadcast %mul3A_97 : i32 to vector<16xi32>
      %mul3A_99 = arith.muli %mul3A_98, %get3A_94 : vector<16xi32>
      %gather3A_100 = tpu.vector_load_idx %arg5[%mul3A_99] : memref<20000xf32, #tpu.memory_space<vmem>>[vector<16xi32>], vector<16xf32>,
      %mul3A_101 = arith.constant 2 : i32
      %mul3A_102 = vector.broadcast %mul3A_101 : i32 to vector<16xi32>
      %mul3A_103 = arith.muli %mul3A_102, %get3A_94 : vector<16xi32>
      %add3A_104 = arith.constant 1 : i32
      %add3A_105 = vector.broadcast %add3A_104 : i32 to vector<16xi32>
      %add3A_106 = arith.addi %mul3A_103, %add3A_105 : vector<16xi32>
      %gather3A_107 = tpu.vector_load_idx %arg5[%add3A_106] : memref<20000xf32, #tpu.memory_space<vmem>>[vector<16xi32>], vector<16xf32>,
      %mul3A_108 = arith.constant 2 : i32
      %mul3A_109 = vector.broadcast %mul3A_108 : i32 to vector<16xi32>
      %mul3A_110 = arith.muli %mul3A_109, %get3A_96 : vector<16xi32>
      %gather3A_111 = tpu.vector_load_idx %arg5[%mul3A_110] : memref<20000xf32, #tpu.memory_space<vmem>>[vector<16xi32>], vector<16xf32>,
      %mul3A_112 = arith.constant 2 : i32
      %mul3A_113 = vector.broadcast %mul3A_112 : i32 to vector<16xi32>
      %mul3A_114 = arith.muli %mul3A_113, %get3A_96 : vector<16xi32>
      %add3A_115 = arith.constant 1 : i32
      %add3A_116 = vector.broadcast %add3A_115 : i32 to vector<16xi32>
      %add3A_117 = arith.addi %mul3A_114, %add3A_116 : vector<16xi32>
      %gather3A_118 = tpu.vector_load_idx %arg5[%add3A_117] : memref<20000xf32, #tpu.memory_space<vmem>>[vector<16xi32>], vector<16xf32>,
      %sub3A_119 = arith.subf %gather3A_100, %gather3A_111 : vector<16xf32>
      %sub3A_120 = arith.subf %gather3A_107, %gather3A_118 : vector<16xf32>
      %mul3A_121 = arith.mulf %sub3A_119, %sub3A_119 : vector<16xf32>
      %mul3A_122 = arith.mulf %sub3A_120, %sub3A_120 : vector<16xf32>
      %add3A_123 = arith.addf %mul3A_121, %mul3A_122 : vector<16xf32>
      %swap3A_124 = arith.constant 16 : index
      %swap3A_125 = tpu.vector_load %arg9[%swap3A_124] {strides = array<i32>} : memref<128xf32, #tpu.memory_space<vmem>>, vector<16xf32>,
      tpu.vector_store %arg9[%swap3A_124], %add3A_123 {strides = array<i32>} : memref<128xf32, #tpu.memory_space<vmem>>, vector<16xf32>,
      %get3A_126 = arith.constant 32 : index
      %get3A_127 = tpu.vector_load %arg8[%get3A_126] {strides = array<i32>} : memref<256xi32, #tpu.memory_space<vmem>>, vector<16xi32>,
      %get3A_128 = arith.constant 160 : index
      %get3A_129 = tpu.vector_load %arg8[%get3A_128] {strides = array<i32>} : memref<256xi32, #tpu.memory_space<vmem>>, vector<16xi32>,
      %mul3A_130 = arith.constant 2 : i32
      %mul3A_131 = vector.broadcast %mul3A_130 : i32 to vector<16xi32>
      %mul3A_132 = arith.muli %mul3A_131, %get3A_127 : vector<16xi32>
      %gather3A_133 = tpu.vector_load_idx %arg5[%mul3A_132] : memref<20000xf32, #tpu.memory_space<vmem>>[vector<16xi32>], vector<16xf32>,
      %mul3A_134 = arith.constant 2 : i32
      %mul3A_135 = vector.broadcast %mul3A_134 : i32 to vector<16xi32>
      %mul3A_136 = arith.muli %mul3A_135, %get3A_127 : vector<16xi32>
      %add3A_137 = arith.constant 1 : i32
      %add3A_138 = vector.broadcast %add3A_137 : i32 to vector<16xi32>
      %add3A_139 = arith.addi %mul3A_136, %add3A_138 : vector<16xi32>
      %gather3A_140 = tpu.vector_load_idx %arg5[%add3A_139] : memref<20000xf32, #tpu.memory_space<vmem>>[vector<16xi32>], vector<16xf32>,
      %mul3A_141 = arith.constant 2 : i32
      %mul3A_142 = vector.broadcast %mul3A_141 : i32 to vector<16xi32>
      %mul3A_143 = arith.muli %mul3A_142, %get3A_129 : vector<16xi32>
      %gather3A_144 = tpu.vector_load_idx %arg5[%mul3A_143] : memref<20000xf32, #tpu.memory_space<vmem>>[vector<16xi32>], vector<16xf32>,
      %mul3A_145 = arith.constant 2 : i32
      %mul3A_146 = vector.broadcast %mul3A_145 : i32 to vector<16xi32>
      %mul3A_147 = arith.muli %mul3A_146, %get3A_129 : vector<16xi32>
      %add3A_148 = arith.constant 1 : i32
      %add3A_149 = vector.broadcast %add3A_148 : i32 to vector<16xi32>
      %add3A_150 = arith.addi %mul3A_147, %add3A_149 : vector<16xi32>
      %gather3A_151 = tpu.vector_load_idx %arg5[%add3A_150] : memref<20000xf32, #tpu.memory_space<vmem>>[vector<16xi32>], vector<16xf32>,
      %sub3A_152 = arith.subf %gather3A_133, %gather3A_144 : vector<16xf32>
      %sub3A_153 = arith.subf %gather3A_140, %gather3A_151 : vector<16xf32>
      %mul3A_154 = arith.mulf %sub3A_152, %sub3A_152 : vector<16xf32>
      %mul3A_155 = arith.mulf %sub3A_153, %sub3A_153 : vector<16xf32>
      %add3A_156 = arith.addf %mul3A_154, %mul3A_155 : vector<16xf32>
      %swap3A_157 = arith.constant 32 : index
      %swap3A_158 = tpu.vector_load %arg9[%swap3A_157] {strides = array<i32>} : memref<128xf32, #tpu.memory_space<vmem>>, vector<16xf32>,
      tpu.vector_store %arg9[%swap3A_157], %add3A_156 {strides = array<i32>} : memref<128xf32, #tpu.memory_space<vmem>>, vector<16xf32>,
      %get3A_159 = arith.constant 48 : index
      %get3A_160 = tpu.vector_load %arg8[%get3A_159] {strides = array<i32>} : memref<256xi32, #tpu.memory_space<vmem>>, vector<16xi32>,
      %get3A_161 = arith.constant 176 : index
      %get3A_162 = tpu.vector_load %arg8[%get3A_161] {strides = array<i32>} : memref<256xi32, #tpu.memory_space<vmem>>, vector<16xi32>,
      %mul3A_163 = arith.constant 2 : i32
      %mul3A_164 = vector.broadcast %mul3A_163 : i32 to vector<16xi32>
      %mul3A_165 = arith.muli %mul3A_164, %get3A_160 : vector<16xi32>
      %gather3A_166 = tpu.vector_load_idx %arg5[%mul3A_165] : memref<20000xf32, #tpu.memory_space<vmem>>[vector<16xi32>], vector<16xf32>,
      %mul3A_167 = arith.constant 2 : i32
      %mul3A_168 = vector.broadcast %mul3A_167 : i32 to vector<16xi32>
      %mul3A_169 = arith.muli %mul3A_168, %get3A_160 : vector<16xi32>
      %add3A_170 = arith.constant 1 : i32
      %add3A_171 = vector.broadcast %add3A_170 : i32 to vector<16xi32>
      %add3A_172 = arith.addi %mul3A_169, %add3A_171 : vector<16xi32>
      %gather3A_173 = tpu.vector_load_idx %arg5[%add3A_172] : memref<20000xf32, #tpu.memory_space<vmem>>[vector<16xi32>], vector<16xf32>,
      %mul3A_174 = arith.constant 2 : i32
      %mul3A_175 = vector.broadcast %mul3A_174 : i32 to vector<16xi32>
      %mul3A_176 = arith.muli %mul3A_175, %get3A_162 : vector<16xi32>
      %gather3A_177 = tpu.vector_load_idx %arg5[%mul3A_176] : memref<20000xf32, #tpu.memory_space<vmem>>[vector<16xi32>], vector<16xf32>,
      %mul3A_178 = arith.constant 2 : i32
      %mul3A_179 = vector.broadcast %mul3A_178 : i32 to vector<16xi32>
      %mul3A_180 = arith.muli %mul3A_179, %get3A_162 : vector<16xi32>
      %add3A_181 = arith.constant 1 : i32
      %add3A_182 = vector.broadcast %add3A_181 : i32 to vector<16xi32>
      %add3A_183 = arith.addi %mul3A_180, %add3A_182 : vector<16xi32>
      %gather3A_184 = tpu.vector_load_idx %arg5[%add3A_183] : memref<20000xf32, #tpu.memory_space<vmem>>[vector<16xi32>], vector<16xf32>,
      %sub3A_185 = arith.subf %gather3A_166, %gather3A_177 : vector<16xf32>
      %sub3A_186 = arith.subf %gather3A_173, %gather3A_184 : vector<16xf32>
      %mul3A_187 = arith.mulf %sub3A_185, %sub3A_185 : vector<16xf32>
      %mul3A_188 = arith.mulf %sub3A_186, %sub3A_186 : vector<16xf32>
      %add3A_189 = arith.addf %mul3A_187, %mul3A_188 : vector<16xf32>
      %swap3A_190 = arith.constant 48 : index
      %swap3A_191 = tpu.vector_load %arg9[%swap3A_190] {strides = array<i32>} : memref<128xf32, #tpu.memory_space<vmem>>, vector<16xf32>,
      tpu.vector_store %arg9[%swap3A_190], %add3A_189 {strides = array<i32>} : memref<128xf32, #tpu.memory_space<vmem>>, vector<16xf32>,
      %get3A_192 = arith.constant 64 : index
      %get3A_193 = tpu.vector_load %arg8[%get3A_192] {strides = array<i32>} : memref<256xi32, #tpu.memory_space<vmem>>, vector<16xi32>,
      %get3A_194 = arith.constant 192 : index
      %get3A_195 = tpu.vector_load %arg8[%get3A_194] {strides = array<i32>} : memref<256xi32, #tpu.memory_space<vmem>>, vector<16xi32>,
      %mul3A_196 = arith.constant 2 : i32
      %mul3A_197 = vector.broadcast %mul3A_196 : i32 to vector<16xi32>
      %mul3A_198 = arith.muli %mul3A_197, %get3A_193 : vector<16xi32>
      %gather3A_199 = tpu.vector_load_idx %arg5[%mul3A_198] : memref<20000xf32, #tpu.memory_space<vmem>>[vector<16xi32>], vector<16xf32>,
      %mul3A_200 = arith.constant 2 : i32
      %mul3A_201 = vector.broadcast %mul3A_200 : i32 to vector<16xi32>
      %mul3A_202 = arith.muli %mul3A_201, %get3A_193 : vector<16xi32>
      %add3A_203 = arith.constant 1 : i32
      %add3A_204 = vector.broadcast %add3A_203 : i32 to vector<16xi32>
      %add3A_205 = arith.addi %mul3A_202, %add3A_204 : vector<16xi32>
      %gather3A_206 = tpu.vector_load_idx %arg5[%add3A_205] : memref<20000xf32, #tpu.memory_space<vmem>>[vector<16xi32>], vector<16xf32>,
      %mul3A_207 = arith.constant 2 : i32
      %mul3A_208 = vector.broadcast %mul3A_207 : i32 to vector<16xi32>
      %mul3A_209 = arith.muli %mul3A_208, %get3A_195 : vector<16xi32>
      %gather3A_210 = tpu.vector_load_idx %arg5[%mul3A_209] : memref<20000xf32, #tpu.memory_space<vmem>>[vector<16xi32>], vector<16xf32>,
      %mul3A_211 = arith.constant 2 : i32
      %mul3A_212 = vector.broadcast %mul3A_211 : i32 to vector<16xi32>
      %mul3A_213 = arith.muli %mul3A_212, %get3A_195 : vector<16xi32>
      %add3A_214 = arith.constant 1 : i32
      %add3A_215 = vector.broadcast %add3A_214 : i32 to vector<16xi32>
      %add3A_216 = arith.addi %mul3A_213, %add3A_215 : vector<16xi32>
      %gather3A_217 = tpu.vector_load_idx %arg5[%add3A_216] : memref<20000xf32, #tpu.memory_space<vmem>>[vector<16xi32>], vector<16xf32>,
      %sub3A_218 = arith.subf %gather3A_199, %gather3A_210 : vector<16xf32>
      %sub3A_219 = arith.subf %gather3A_206, %gather3A_217 : vector<16xf32>
      %mul3A_220 = arith.mulf %sub3A_218, %sub3A_218 : vector<16xf32>
      %mul3A_221 = arith.mulf %sub3A_219, %sub3A_219 : vector<16xf32>
      %add3A_222 = arith.addf %mul3A_220, %mul3A_221 : vector<16xf32>
      %swap3A_223 = arith.constant 64 : index
      %swap3A_224 = tpu.vector_load %arg9[%swap3A_223] {strides = array<i32>} : memref<128xf32, #tpu.memory_space<vmem>>, vector<16xf32>,
      tpu.vector_store %arg9[%swap3A_223], %add3A_222 {strides = array<i32>} : memref<128xf32, #tpu.memory_space<vmem>>, vector<16xf32>,
      %get3A_225 = arith.constant 80 : index
      %get3A_226 = tpu.vector_load %arg8[%get3A_225] {strides = array<i32>} : memref<256xi32, #tpu.memory_space<vmem>>, vector<16xi32>,
      %get3A_227 = arith.constant 208 : index
      %get3A_228 = tpu.vector_load %arg8[%get3A_227] {strides = array<i32>} : memref<256xi32, #tpu.memory_space<vmem>>, vector<16xi32>,
      %mul3A_229 = arith.constant 2 : i32
      %mul3A_230 = vector.broadcast %mul3A_229 : i32 to vector<16xi32>
      %mul3A_231 = arith.muli %mul3A_230, %get3A_226 : vector<16xi32>
      %gather3A_232 = tpu.vector_load_idx %arg5[%mul3A_231] : memref<20000xf32, #tpu.memory_space<vmem>>[vector<16xi32>], vector<16xf32>,
      %mul3A_233 = arith.constant 2 : i32
      %mul3A_234 = vector.broadcast %mul3A_233 : i32 to vector<16xi32>
      %mul3A_235 = arith.muli %mul3A_234, %get3A_226 : vector<16xi32>
      %add3A_236 = arith.constant 1 : i32
      %add3A_237 = vector.broadcast %add3A_236 : i32 to vector<16xi32>
      %add3A_238 = arith.addi %mul3A_235, %add3A_237 : vector<16xi32>
      %gather3A_239 = tpu.vector_load_idx %arg5[%add3A_238] : memref<20000xf32, #tpu.memory_space<vmem>>[vector<16xi32>], vector<16xf32>,
      %mul3A_240 = arith.constant 2 : i32
      %mul3A_241 = vector.broadcast %mul3A_240 : i32 to vector<16xi32>
      %mul3A_242 = arith.muli %mul3A_241, %get3A_228 : vector<16xi32>
      %gather3A_243 = tpu.vector_load_idx %arg5[%mul3A_242] : memref<20000xf32, #tpu.memory_space<vmem>>[vector<16xi32>], vector<16xf32>,
      %mul3A_244 = arith.constant 2 : i32
      %mul3A_245 = vector.broadcast %mul3A_244 : i32 to vector<16xi32>
      %mul3A_246 = arith.muli %mul3A_245, %get3A_228 : vector<16xi32>
      %add3A_247 = arith.constant 1 : i32
      %add3A_248 = vector.broadcast %add3A_247 : i32 to vector<16xi32>
      %add3A_249 = arith.addi %mul3A_246, %add3A_248 : vector<16xi32>
      %gather3A_250 = tpu.vector_load_idx %arg5[%add3A_249] : memref<20000xf32, #tpu.memory_space<vmem>>[vector<16xi32>], vector<16xf32>,
      %sub3A_251 = arith.subf %gather3A_232, %gather3A_243 : vector<16xf32>
      %sub3A_252 = arith.subf %gather3A_239, %gather3A_250 : vector<16xf32>
      %mul3A_253 = arith.mulf %sub3A_251, %sub3A_251 : vector<16xf32>
      %mul3A_254 = arith.mulf %sub3A_252, %sub3A_252 : vector<16xf32>
      %add3A_255 = arith.addf %mul3A_253, %mul3A_254 : vector<16xf32>
      %swap3A_256 = arith.constant 80 : index
      %swap3A_257 = tpu.vector_load %arg9[%swap3A_256] {strides = array<i32>} : memref<128xf32, #tpu.memory_space<vmem>>, vector<16xf32>,
      tpu.vector_store %arg9[%swap3A_256], %add3A_255 {strides = array<i32>} : memref<128xf32, #tpu.memory_space<vmem>>, vector<16xf32>,
      %get3A_258 = arith.constant 96 : index
      %get3A_259 = tpu.vector_load %arg8[%get3A_258] {strides = array<i32>} : memref<256xi32, #tpu.memory_space<vmem>>, vector<16xi32>,
      %get3A_260 = arith.constant 224 : index
      %get3A_261 = tpu.vector_load %arg8[%get3A_260] {strides = array<i32>} : memref<256xi32, #tpu.memory_space<vmem>>, vector<16xi32>,
      %mul3A_262 = arith.constant 2 : i32
      %mul3A_263 = vector.broadcast %mul3A_262 : i32 to vector<16xi32>
      %mul3A_264 = arith.muli %mul3A_263, %get3A_259 : vector<16xi32>
      %gather3A_265 = tpu.vector_load_idx %arg5[%mul3A_264] : memref<20000xf32, #tpu.memory_space<vmem>>[vector<16xi32>], vector<16xf32>,
      %mul3A_266 = arith.constant 2 : i32
      %mul3A_267 = vector.broadcast %mul3A_266 : i32 to vector<16xi32>
      %mul3A_268 = arith.muli %mul3A_267, %get3A_259 : vector<16xi32>
      %add3A_269 = arith.constant 1 : i32
      %add3A_270 = vector.broadcast %add3A_269 : i32 to vector<16xi32>
      %add3A_271 = arith.addi %mul3A_268, %add3A_270 : vector<16xi32>
      %gather3A_272 = tpu.vector_load_idx %arg5[%add3A_271] : memref<20000xf32, #tpu.memory_space<vmem>>[vector<16xi32>], vector<16xf32>,
      %mul3A_273 = arith.constant 2 : i32
      %mul3A_274 = vector.broadcast %mul3A_273 : i32 to vector<16xi32>
      %mul3A_275 = arith.muli %mul3A_274, %get3A_261 : vector<16xi32>
      %gather3A_276 = tpu.vector_load_idx %arg5[%mul3A_275] : memref<20000xf32, #tpu.memory_space<vmem>>[vector<16xi32>], vector<16xf32>,
      %mul3A_277 = arith.constant 2 : i32
      %mul3A_278 = vector.broadcast %mul3A_277 : i32 to vector<16xi32>
      %mul3A_279 = arith.muli %mul3A_278, %get3A_261 : vector<16xi32>
      %add3A_280 = arith.constant 1 : i32
      %add3A_281 = vector.broadcast %add3A_280 : i32 to vector<16xi32>
      %add3A_282 = arith.addi %mul3A_279, %add3A_281 : vector<16xi32>
      %gather3A_283 = tpu.vector_load_idx %arg5[%add3A_282] : memref<20000xf32, #tpu.memory_space<vmem>>[vector<16xi32>], vector<16xf32>,
      %sub3A_284 = arith.subf %gather3A_265, %gather3A_276 : vector<16xf32>
      %sub3A_285 = arith.subf %gather3A_272, %gather3A_283 : vector<16xf32>
      %mul3A_286 = arith.mulf %sub3A_284, %sub3A_284 : vector<16xf32>
      %mul3A_287 = arith.mulf %sub3A_285, %sub3A_285 : vector<16xf32>
      %add3A_288 = arith.addf %mul3A_286, %mul3A_287 : vector<16xf32>
      %swap3A_289 = arith.constant 96 : index
      %swap3A_290 = tpu.vector_load %arg9[%swap3A_289] {strides = array<i32>} : memref<128xf32, #tpu.memory_space<vmem>>, vector<16xf32>,
      tpu.vector_store %arg9[%swap3A_289], %add3A_288 {strides = array<i32>} : memref<128xf32, #tpu.memory_space<vmem>>, vector<16xf32>,
      %get3A_291 = arith.constant 112 : index
      %get3A_292 = tpu.vector_load %arg8[%get3A_291] {strides = array<i32>} : memref<256xi32, #tpu.memory_space<vmem>>, vector<16xi32>,
      %get3A_293 = arith.constant 240 : index
      %get3A_294 = tpu.vector_load %arg8[%get3A_293] {strides = array<i32>} : memref<256xi32, #tpu.memory_space<vmem>>, vector<16xi32>,
      %mul3A_295 = arith.constant 2 : i32
      %mul3A_296 = vector.broadcast %mul3A_295 : i32 to vector<16xi32>
      %mul3A_297 = arith.muli %mul3A_296, %get3A_292 : vector<16xi32>
      %gather3A_298 = tpu.vector_load_idx %arg5[%mul3A_297] : memref<20000xf32, #tpu.memory_space<vmem>>[vector<16xi32>], vector<16xf32>,
      %mul3A_299 = arith.constant 2 : i32
      %mul3A_300 = vector.broadcast %mul3A_299 : i32 to vector<16xi32>
      %mul3A_301 = arith.muli %mul3A_300, %get3A_292 : vector<16xi32>
      %add3A_302 = arith.constant 1 : i32
      %add3A_303 = vector.broadcast %add3A_302 : i32 to vector<16xi32>
      %add3A_304 = arith.addi %mul3A_301, %add3A_303 : vector<16xi32>
      %gather3A_305 = tpu.vector_load_idx %arg5[%add3A_304] : memref<20000xf32, #tpu.memory_space<vmem>>[vector<16xi32>], vector<16xf32>,
      %mul3A_306 = arith.constant 2 : i32
      %mul3A_307 = vector.broadcast %mul3A_306 : i32 to vector<16xi32>
      %mul3A_308 = arith.muli %mul3A_307, %get3A_294 : vector<16xi32>
      %gather3A_309 = tpu.vector_load_idx %arg5[%mul3A_308] : memref<20000xf32, #tpu.memory_space<vmem>>[vector<16xi32>], vector<16xf32>,
      %mul3A_310 = arith.constant 2 : i32
      %mul3A_311 = vector.broadcast %mul3A_310 : i32 to vector<16xi32>
      %mul3A_312 = arith.muli %mul3A_311, %get3A_294 : vector<16xi32>
      %add3A_313 = arith.constant 1 : i32
      %add3A_314 = vector.broadcast %add3A_313 : i32 to vector<16xi32>
      %add3A_315 = arith.addi %mul3A_312, %add3A_314 : vector<16xi32>
      %gather3A_316 = tpu.vector_load_idx %arg5[%add3A_315] : memref<20000xf32, #tpu.memory_space<vmem>>[vector<16xi32>], vector<16xf32>,
      %sub3A_317 = arith.subf %gather3A_298, %gather3A_309 : vector<16xf32>
      %sub3A_318 = arith.subf %gather3A_305, %gather3A_316 : vector<16xf32>
      %mul3A_319 = arith.mulf %sub3A_317, %sub3A_317 : vector<16xf32>
      %mul3A_320 = arith.mulf %sub3A_318, %sub3A_318 : vector<16xf32>
      %add3A_321 = arith.addf %mul3A_319, %mul3A_320 : vector<16xf32>
      %swap3A_322 = arith.constant 112 : index
      %swap3A_323 = tpu.vector_load %arg9[%swap3A_322] {strides = array<i32>} : memref<128xf32, #tpu.memory_space<vmem>>, vector<16xf32>,
      tpu.vector_store %arg9[%swap3A_322], %add3A_321 {strides = array<i32>} : memref<128xf32, #tpu.memory_space<vmem>>, vector<16xf32>,
      %mul3A_324 = arith.constant 128 : i32
      %mul3A_325 = arith.muli %add3A_58, %mul3A_324 : i32
      "tpu.region"() ({
        %run_scoped3A = tpu.sem_alloc : memref<!tpu.dma_semaphore, #tpu.memory_space<semaphore_mem>>
        %dma_start3A = tpu.memref_slice %arg4[%mul3A_325] : memref<320000xf32, #tpu.memory_space<hbm>> -> memref<128xf32, #tpu.memory_space<hbm>>
        %dma_start3A_326 = tpu.memref_slice %arg4[%mul3A_325] : memref<320000xf32, #tpu.memory_space<hbm>> -> memref<128xf32, #tpu.memory_space<hbm>>
        tpu.enqueue_dma source(%arg9 : memref<128xf32, #tpu.memory_space<vmem>>) target(%dma_start3A_326 : memref<128xf32, #tpu.memory_space<hbm>>) target_semaphore(%run_scoped3A : memref<!tpu.dma_semaphore, #tpu.memory_space<semaphore_mem>>)
        %dma_wait3A = tpu.memref_slice %arg4[%mul3A_325] : memref<320000xf32, #tpu.memory_space<hbm>> -> memref<128xf32, #tpu.memory_space<hbm>>
        %dma_wait3A_327 = tpu.memref_slice %arg4[%mul3A_325] : memref<320000xf32, #tpu.memory_space<hbm>> -> memref<128xf32, #tpu.memory_space<hbm>>
        tpu.wait_dma2 semaphore(%run_scoped3A : memref<!tpu.dma_semaphore, #tpu.memory_space<semaphore_mem>>) src(%arg9 : memref<128xf32, #tpu.memory_space<vmem>>) dst(%dma_wait3A_327 : memref<128xf32, #tpu.memory_space<hbm>>)
        tpu.yield
      }) : () -> ()
    } else {
    }
    return
  }
}

module attributes {stable_mosaic.version = 14 : i64} {
  func.func @body(%arg0: i32, %arg1: i32, %arg2: memref<1x1x16000xf32, #tpu.memory_space<vmem>>, %arg3: memref<32x128xf32, #tpu.memory_space<vmem>>, %arg4: memref<1x8x16x16000xf32, #tpu.memory_space<vmem>>) attributes {dimension_semantics = [#tpu.dimension_semantics<arbitrary>, #tpu.dimension_semantics<arbitrary>], iteration_bounds = array<i64: 2, 10>, scalar_prefetch = 0 : i64, scratch_operands = 0 : i64, tpu.core_type = #tpu.core_type<tc>, window_params = [{transform_indices = @transform_0, window_bounds = array<i64: 1, 1, 16000>}, {pipeline_mode = #tpu.pipeline_mode<synchronous>, transform_indices = @transform_1, window_bounds = array<i64: 32, 128>}, {transform_indices = @transform_2, window_bounds = array<i64: 1, 8, 16, 16000>}]} {
    %get3A = arith.constant 0 : index
    %get3A_0 = arith.constant 0 : index
    %get3A_1 = arith.constant 0 : index
    %get3A_2 = vector.load %arg2[%get3A, %get3A_0, %get3A_1] : memref<1x1x16000xf32, #tpu.memory_space<vmem>>, vector<1x1x16000xf32>
    %get3A_3 = vector.shape_cast %get3A_2 : vector<1x1x16000xf32> to vector<1x16000xf32>
    %sqrt3A = math.sqrt %get3A_3 : vector<1x16000xf32>
    %mul3A = arith.constant 3.200000e+01 : f32
    %mul3A_4 = vector.broadcast %mul3A : f32 to vector<1x16000xf32>
    %mul3A_5 = arith.mulf %sqrt3A, %mul3A_4 : vector<1x16000xf32>
    %convert_element_type3A = arith.fptosi %mul3A_5 : vector<1x16000xf32> to vector<1x16000xi32>
    %jit3A = arith.constant 0 : i32
    %jit3A_6 = arith.constant 31 : i32
    %max3A = vector.broadcast %jit3A : i32 to vector<1x16000xi32>
    %max3A_7 = arith.maxsi %max3A, %convert_element_type3A : vector<1x16000xi32>
    %min3A = vector.broadcast %jit3A_6 : i32 to vector<1x16000xi32>
    %min3A_8 = arith.minsi %min3A, %max3A_7 : vector<1x16000xi32>
    %broadcast_in_dim3A = vector.shape_cast %min3A_8 : vector<1x16000xi32> to vector<1x16000xi32>
    %broadcast_in_dim3A_9 = vector.broadcast %broadcast_in_dim3A : vector<1x16000xi32> to vector<32x16000xi32>
    %iota3A = tpu.iota {dimensions = array<i32: 0>} : vector<32x16000xi32>
    %eq3A = arith.cmpi eq, %broadcast_in_dim3A_9, %iota3A : vector<32x16000xi32>
    %convert_element_type3A_10 = arith.extui %eq3A : vector<32x16000xi1> to vector<32x16000xi32>
    %convert_element_type3A_11 = arith.sitofp %convert_element_type3A_10 : vector<32x16000xi32> to vector<32x16000xf32>
    %get3A_12 = arith.constant 0 : index
    %get3A_13 = arith.constant 0 : index
    %get3A_14 = vector.load %arg3[%get3A_12, %get3A_13] : memref<32x128xf32, #tpu.memory_space<vmem>>, vector<32x128xf32>
    %dot_general3A = arith.constant dense<0.000000e+00> : vector<128x16000xf32>
    %dot_general3A_15 = tpu.matmul %get3A_14, %convert_element_type3A_11, %dot_general3A {dimension_numbers = #tpu.dot_dimension_numbers<[0], [0], [1], [1], [0, 1, 1, 1], [], []>, transpose_lhs_hint = false} : vector<32x128xf32>, vector<32x16000xf32>, vector<128x16000xf32> -> vector<128x16000xf32>
    %slice3A = vector.extract_strided_slice %dot_general3A_15 {offsets = [0, 0], sizes = [16, 16000], strides = [1, 1]} : vector<128x16000xf32> to vector<16x16000xf32>
    %swap3A = arith.constant 0 : index
    %swap3A_16 = arith.constant 0 : index
    %swap3A_17 = arith.constant 0 : index
    %swap3A_18 = arith.constant 0 : index
    %swap3A_19 = vector.load %arg4[%swap3A, %swap3A_16, %swap3A_17, %swap3A_18] : memref<1x8x16x16000xf32, #tpu.memory_space<vmem>>, vector<1x1x16x16000xf32>
    %swap3A_20 = vector.shape_cast %swap3A_19 : vector<1x1x16x16000xf32> to vector<16x16000xf32>
    %swap3A_21 = vector.shape_cast %slice3A : vector<16x16000xf32> to vector<1x1x16x16000xf32>
    tpu.vector_store %arg4[%swap3A, %swap3A_16, %swap3A_17, %swap3A_18], %swap3A_21 {strides = array<i32>} : memref<1x8x16x16000xf32, #tpu.memory_space<vmem>>, vector<1x1x16x16000xf32>,
    %slice3A_22 = vector.extract_strided_slice %dot_general3A_15 {offsets = [16, 0], sizes = [16, 16000], strides = [1, 1]} : vector<128x16000xf32> to vector<16x16000xf32>
    %swap3A_23 = arith.constant 0 : index
    %swap3A_24 = arith.constant 1 : index
    %swap3A_25 = arith.constant 0 : index
    %swap3A_26 = arith.constant 0 : index
    %swap3A_27 = vector.load %arg4[%swap3A_23, %swap3A_24, %swap3A_25, %swap3A_26] : memref<1x8x16x16000xf32, #tpu.memory_space<vmem>>, vector<1x1x16x16000xf32>
    %swap3A_28 = vector.shape_cast %swap3A_27 : vector<1x1x16x16000xf32> to vector<16x16000xf32>
    %swap3A_29 = vector.shape_cast %slice3A_22 : vector<16x16000xf32> to vector<1x1x16x16000xf32>
    tpu.vector_store %arg4[%swap3A_23, %swap3A_24, %swap3A_25, %swap3A_26], %swap3A_29 {strides = array<i32>} : memref<1x8x16x16000xf32, #tpu.memory_space<vmem>>, vector<1x1x16x16000xf32>,
    %slice3A_30 = vector.extract_strided_slice %dot_general3A_15 {offsets = [32, 0], sizes = [16, 16000], strides = [1, 1]} : vector<128x16000xf32> to vector<16x16000xf32>
    %swap3A_31 = arith.constant 0 : index
    %swap3A_32 = arith.constant 2 : index
    %swap3A_33 = arith.constant 0 : index
    %swap3A_34 = arith.constant 0 : index
    %swap3A_35 = vector.load %arg4[%swap3A_31, %swap3A_32, %swap3A_33, %swap3A_34] : memref<1x8x16x16000xf32, #tpu.memory_space<vmem>>, vector<1x1x16x16000xf32>
    %swap3A_36 = vector.shape_cast %swap3A_35 : vector<1x1x16x16000xf32> to vector<16x16000xf32>
    %swap3A_37 = vector.shape_cast %slice3A_30 : vector<16x16000xf32> to vector<1x1x16x16000xf32>
    tpu.vector_store %arg4[%swap3A_31, %swap3A_32, %swap3A_33, %swap3A_34], %swap3A_37 {strides = array<i32>} : memref<1x8x16x16000xf32, #tpu.memory_space<vmem>>, vector<1x1x16x16000xf32>,
    %slice3A_38 = vector.extract_strided_slice %dot_general3A_15 {offsets = [48, 0], sizes = [16, 16000], strides = [1, 1]} : vector<128x16000xf32> to vector<16x16000xf32>
    %swap3A_39 = arith.constant 0 : index
    %swap3A_40 = arith.constant 3 : index
    %swap3A_41 = arith.constant 0 : index
    %swap3A_42 = arith.constant 0 : index
    %swap3A_43 = vector.load %arg4[%swap3A_39, %swap3A_40, %swap3A_41, %swap3A_42] : memref<1x8x16x16000xf32, #tpu.memory_space<vmem>>, vector<1x1x16x16000xf32>
    %swap3A_44 = vector.shape_cast %swap3A_43 : vector<1x1x16x16000xf32> to vector<16x16000xf32>
    %swap3A_45 = vector.shape_cast %slice3A_38 : vector<16x16000xf32> to vector<1x1x16x16000xf32>
    tpu.vector_store %arg4[%swap3A_39, %swap3A_40, %swap3A_41, %swap3A_42], %swap3A_45 {strides = array<i32>} : memref<1x8x16x16000xf32, #tpu.memory_space<vmem>>, vector<1x1x16x16000xf32>,
    %slice3A_46 = vector.extract_strided_slice %dot_general3A_15 {offsets = [64, 0], sizes = [16, 16000], strides = [1, 1]} : vector<128x16000xf32> to vector<16x16000xf32>
    %swap3A_47 = arith.constant 0 : index
    %swap3A_48 = arith.constant 4 : index
    %swap3A_49 = arith.constant 0 : index
    %swap3A_50 = arith.constant 0 : index
    %swap3A_51 = vector.load %arg4[%swap3A_47, %swap3A_48, %swap3A_49, %swap3A_50] : memref<1x8x16x16000xf32, #tpu.memory_space<vmem>>, vector<1x1x16x16000xf32>
    %swap3A_52 = vector.shape_cast %swap3A_51 : vector<1x1x16x16000xf32> to vector<16x16000xf32>
    %swap3A_53 = vector.shape_cast %slice3A_46 : vector<16x16000xf32> to vector<1x1x16x16000xf32>
    tpu.vector_store %arg4[%swap3A_47, %swap3A_48, %swap3A_49, %swap3A_50], %swap3A_53 {strides = array<i32>} : memref<1x8x16x16000xf32, #tpu.memory_space<vmem>>, vector<1x1x16x16000xf32>,
    %slice3A_54 = vector.extract_strided_slice %dot_general3A_15 {offsets = [80, 0], sizes = [16, 16000], strides = [1, 1]} : vector<128x16000xf32> to vector<16x16000xf32>
    %swap3A_55 = arith.constant 0 : index
    %swap3A_56 = arith.constant 5 : index
    %swap3A_57 = arith.constant 0 : index
    %swap3A_58 = arith.constant 0 : index
    %swap3A_59 = vector.load %arg4[%swap3A_55, %swap3A_56, %swap3A_57, %swap3A_58] : memref<1x8x16x16000xf32, #tpu.memory_space<vmem>>, vector<1x1x16x16000xf32>
    %swap3A_60 = vector.shape_cast %swap3A_59 : vector<1x1x16x16000xf32> to vector<16x16000xf32>
    %swap3A_61 = vector.shape_cast %slice3A_54 : vector<16x16000xf32> to vector<1x1x16x16000xf32>
    tpu.vector_store %arg4[%swap3A_55, %swap3A_56, %swap3A_57, %swap3A_58], %swap3A_61 {strides = array<i32>} : memref<1x8x16x16000xf32, #tpu.memory_space<vmem>>, vector<1x1x16x16000xf32>,
    %slice3A_62 = vector.extract_strided_slice %dot_general3A_15 {offsets = [96, 0], sizes = [16, 16000], strides = [1, 1]} : vector<128x16000xf32> to vector<16x16000xf32>
    %swap3A_63 = arith.constant 0 : index
    %swap3A_64 = arith.constant 6 : index
    %swap3A_65 = arith.constant 0 : index
    %swap3A_66 = arith.constant 0 : index
    %swap3A_67 = vector.load %arg4[%swap3A_63, %swap3A_64, %swap3A_65, %swap3A_66] : memref<1x8x16x16000xf32, #tpu.memory_space<vmem>>, vector<1x1x16x16000xf32>
    %swap3A_68 = vector.shape_cast %swap3A_67 : vector<1x1x16x16000xf32> to vector<16x16000xf32>
    %swap3A_69 = vector.shape_cast %slice3A_62 : vector<16x16000xf32> to vector<1x1x16x16000xf32>
    tpu.vector_store %arg4[%swap3A_63, %swap3A_64, %swap3A_65, %swap3A_66], %swap3A_69 {strides = array<i32>} : memref<1x8x16x16000xf32, #tpu.memory_space<vmem>>, vector<1x1x16x16000xf32>,
    %slice3A_70 = vector.extract_strided_slice %dot_general3A_15 {offsets = [112, 0], sizes = [16, 16000], strides = [1, 1]} : vector<128x16000xf32> to vector<16x16000xf32>
    %swap3A_71 = arith.constant 0 : index
    %swap3A_72 = arith.constant 7 : index
    %swap3A_73 = arith.constant 0 : index
    %swap3A_74 = arith.constant 0 : index
    %swap3A_75 = vector.load %arg4[%swap3A_71, %swap3A_72, %swap3A_73, %swap3A_74] : memref<1x8x16x16000xf32, #tpu.memory_space<vmem>>, vector<1x1x16x16000xf32>
    %swap3A_76 = vector.shape_cast %swap3A_75 : vector<1x1x16x16000xf32> to vector<16x16000xf32>
    %swap3A_77 = vector.shape_cast %slice3A_70 : vector<16x16000xf32> to vector<1x1x16x16000xf32>
    tpu.vector_store %arg4[%swap3A_71, %swap3A_72, %swap3A_73, %swap3A_74], %swap3A_77 {strides = array<i32>} : memref<1x8x16x16000xf32, #tpu.memory_space<vmem>>, vector<1x1x16x16000xf32>,
    return
  }
  func.func @transform_0(%arg0: i32, %arg1: i32) -> (i32, i32, i32) {
    %c0_i32 = arith.constant 0 : i32
    %c0_i32_0 = arith.constant 0 : i32
    return %arg0, %c0_i32, %arg1 : i32, i32, i32
  }
  func.func @transform_1(%arg0: i32, %arg1: i32) -> (i32, i32) {
    %c0_i32 = arith.constant 0 : i32
    %c0_i32_0 = arith.constant 0 : i32
    %c0_i32_1 = arith.constant 0 : i32
    return %c0_i32, %c0_i32_0 : i32, i32
  }
  func.func @transform_2(%arg0: i32, %arg1: i32) -> (i32, i32, i32, i32) {
    %add3A = arith.constant 0 : i32
    %add3A_0 = arith.addi %add3A, %arg1 : i32
    %c0_i32 = arith.constant 0 : i32
    %c0_i32_1 = arith.constant 0 : i32
    %c0_i32_2 = arith.constant 0 : i32
    return %arg0, %c0_i32, %c0_i32_1, %add3A_0 : i32, i32, i32, i32
  }
}

module attributes {stable_mosaic.version = 14 : i64} {
  func.func @body(%arg0: i32, %arg1: i32, %arg2: memref<1x1x16000xf32, #tpu.memory_space<vmem>>, %arg3: memref<32x128xf32, #tpu.memory_space<vmem>>, %arg4: memref<2x8x16x320000xf32, #tpu.memory_space<any>>, %arg5: memref<1x8x16x16000xf32, #tpu.memory_space<vmem>>) attributes {dimension_semantics = [#tpu.dimension_semantics<arbitrary>, #tpu.dimension_semantics<arbitrary>], iteration_bounds = array<i64: 2, 10>, scalar_prefetch = 0 : i64, scratch_operands = 0 : i64, tpu.core_type = #tpu.core_type<tc>, window_params = [{transform_indices = @transform_0, window_bounds = array<i64: 1, 1, 16000>}, {pipeline_mode = #tpu.pipeline_mode<synchronous>, transform_indices = @transform_1, window_bounds = array<i64: 32, 128>}, {}, {transform_indices = @transform_3, window_bounds = array<i64: 1, 8, 16, 16000>}]} {
    %get3A = arith.constant 0 : index
    %get3A_0 = arith.constant 0 : index
    %get3A_1 = arith.constant 0 : index
    %get3A_2 = vector.load %arg2[%get3A, %get3A_0, %get3A_1] : memref<1x1x16000xf32, #tpu.memory_space<vmem>>, vector<1x1x16000xf32>
    %get3A_3 = vector.shape_cast %get3A_2 : vector<1x1x16000xf32> to vector<1x16000xf32>
    %sqrt3A = math.sqrt %get3A_3 : vector<1x16000xf32>
    %mul3A = arith.constant 3.200000e+01 : f32
    %mul3A_4 = vector.broadcast %mul3A : f32 to vector<1x16000xf32>
    %mul3A_5 = arith.mulf %sqrt3A, %mul3A_4 : vector<1x16000xf32>
    %convert_element_type3A = arith.fptosi %mul3A_5 : vector<1x16000xf32> to vector<1x16000xi32>
    %jit3A = arith.constant 0 : i32
    %jit3A_6 = arith.constant 31 : i32
    %max3A = vector.broadcast %jit3A : i32 to vector<1x16000xi32>
    %max3A_7 = arith.maxsi %max3A, %convert_element_type3A : vector<1x16000xi32>
    %min3A = vector.broadcast %jit3A_6 : i32 to vector<1x16000xi32>
    %min3A_8 = arith.minsi %min3A, %max3A_7 : vector<1x16000xi32>
    %broadcast_in_dim3A = vector.shape_cast %min3A_8 : vector<1x16000xi32> to vector<1x16000xi32>
    %broadcast_in_dim3A_9 = vector.broadcast %broadcast_in_dim3A : vector<1x16000xi32> to vector<32x16000xi32>
    %iota3A = tpu.iota {dimensions = array<i32: 0>} : vector<32x16000xi32>
    %eq3A = arith.cmpi eq, %broadcast_in_dim3A_9, %iota3A : vector<32x16000xi32>
    %convert_element_type3A_10 = arith.extui %eq3A : vector<32x16000xi1> to vector<32x16000xi32>
    %convert_element_type3A_11 = arith.sitofp %convert_element_type3A_10 : vector<32x16000xi32> to vector<32x16000xf32>
    %get3A_12 = arith.constant 0 : index
    %get3A_13 = arith.constant 0 : index
    %get3A_14 = vector.load %arg3[%get3A_12, %get3A_13] : memref<32x128xf32, #tpu.memory_space<vmem>>, vector<32x128xf32>
    %dot_general3A = arith.constant dense<0.000000e+00> : vector<128x16000xf32>
    %dot_general3A_15 = tpu.matmul %get3A_14, %convert_element_type3A_11, %dot_general3A {dimension_numbers = #tpu.dot_dimension_numbers<[0], [0], [1], [1], [0, 1, 1, 1], [], []>, transpose_lhs_hint = false} : vector<32x128xf32>, vector<32x16000xf32>, vector<128x16000xf32> -> vector<128x16000xf32>
    %slice3A = vector.extract_strided_slice %dot_general3A_15 {offsets = [0, 0], sizes = [16, 16000], strides = [1, 1]} : vector<128x16000xf32> to vector<16x16000xf32>
    %swap3A = arith.constant 0 : index
    %swap3A_16 = arith.constant 0 : index
    %swap3A_17 = arith.constant 0 : index
    %swap3A_18 = arith.constant 0 : index
    %swap3A_19 = vector.load %arg5[%swap3A, %swap3A_16, %swap3A_17, %swap3A_18] : memref<1x8x16x16000xf32, #tpu.memory_space<vmem>>, vector<1x1x16x16000xf32>
    %swap3A_20 = vector.shape_cast %swap3A_19 : vector<1x1x16x16000xf32> to vector<16x16000xf32>
    %swap3A_21 = vector.shape_cast %slice3A : vector<16x16000xf32> to vector<1x1x16x16000xf32>
    tpu.vector_store %arg5[%swap3A, %swap3A_16, %swap3A_17, %swap3A_18], %swap3A_21 {strides = array<i32>} : memref<1x8x16x16000xf32, #tpu.memory_space<vmem>>, vector<1x1x16x16000xf32>,
    %slice3A_22 = vector.extract_strided_slice %dot_general3A_15 {offsets = [16, 0], sizes = [16, 16000], strides = [1, 1]} : vector<128x16000xf32> to vector<16x16000xf32>
    %swap3A_23 = arith.constant 0 : index
    %swap3A_24 = arith.constant 1 : index
    %swap3A_25 = arith.constant 0 : index
    %swap3A_26 = arith.constant 0 : index
    %swap3A_27 = vector.load %arg5[%swap3A_23, %swap3A_24, %swap3A_25, %swap3A_26] : memref<1x8x16x16000xf32, #tpu.memory_space<vmem>>, vector<1x1x16x16000xf32>
    %swap3A_28 = vector.shape_cast %swap3A_27 : vector<1x1x16x16000xf32> to vector<16x16000xf32>
    %swap3A_29 = vector.shape_cast %slice3A_22 : vector<16x16000xf32> to vector<1x1x16x16000xf32>
    tpu.vector_store %arg5[%swap3A_23, %swap3A_24, %swap3A_25, %swap3A_26], %swap3A_29 {strides = array<i32>} : memref<1x8x16x16000xf32, #tpu.memory_space<vmem>>, vector<1x1x16x16000xf32>,
    %slice3A_30 = vector.extract_strided_slice %dot_general3A_15 {offsets = [32, 0], sizes = [16, 16000], strides = [1, 1]} : vector<128x16000xf32> to vector<16x16000xf32>
    %swap3A_31 = arith.constant 0 : index
    %swap3A_32 = arith.constant 2 : index
    %swap3A_33 = arith.constant 0 : index
    %swap3A_34 = arith.constant 0 : index
    %swap3A_35 = vector.load %arg5[%swap3A_31, %swap3A_32, %swap3A_33, %swap3A_34] : memref<1x8x16x16000xf32, #tpu.memory_space<vmem>>, vector<1x1x16x16000xf32>
    %swap3A_36 = vector.shape_cast %swap3A_35 : vector<1x1x16x16000xf32> to vector<16x16000xf32>
    %swap3A_37 = vector.shape_cast %slice3A_30 : vector<16x16000xf32> to vector<1x1x16x16000xf32>
    tpu.vector_store %arg5[%swap3A_31, %swap3A_32, %swap3A_33, %swap3A_34], %swap3A_37 {strides = array<i32>} : memref<1x8x16x16000xf32, #tpu.memory_space<vmem>>, vector<1x1x16x16000xf32>,
    %slice3A_38 = vector.extract_strided_slice %dot_general3A_15 {offsets = [48, 0], sizes = [16, 16000], strides = [1, 1]} : vector<128x16000xf32> to vector<16x16000xf32>
    %swap3A_39 = arith.constant 0 : index
    %swap3A_40 = arith.constant 3 : index
    %swap3A_41 = arith.constant 0 : index
    %swap3A_42 = arith.constant 0 : index
    %swap3A_43 = vector.load %arg5[%swap3A_39, %swap3A_40, %swap3A_41, %swap3A_42] : memref<1x8x16x16000xf32, #tpu.memory_space<vmem>>, vector<1x1x16x16000xf32>
    %swap3A_44 = vector.shape_cast %swap3A_43 : vector<1x1x16x16000xf32> to vector<16x16000xf32>
    %swap3A_45 = vector.shape_cast %slice3A_38 : vector<16x16000xf32> to vector<1x1x16x16000xf32>
    tpu.vector_store %arg5[%swap3A_39, %swap3A_40, %swap3A_41, %swap3A_42], %swap3A_45 {strides = array<i32>} : memref<1x8x16x16000xf32, #tpu.memory_space<vmem>>, vector<1x1x16x16000xf32>,
    %slice3A_46 = vector.extract_strided_slice %dot_general3A_15 {offsets = [64, 0], sizes = [16, 16000], strides = [1, 1]} : vector<128x16000xf32> to vector<16x16000xf32>
    %swap3A_47 = arith.constant 0 : index
    %swap3A_48 = arith.constant 4 : index
    %swap3A_49 = arith.constant 0 : index
    %swap3A_50 = arith.constant 0 : index
    %swap3A_51 = vector.load %arg5[%swap3A_47, %swap3A_48, %swap3A_49, %swap3A_50] : memref<1x8x16x16000xf32, #tpu.memory_space<vmem>>, vector<1x1x16x16000xf32>
    %swap3A_52 = vector.shape_cast %swap3A_51 : vector<1x1x16x16000xf32> to vector<16x16000xf32>
    %swap3A_53 = vector.shape_cast %slice3A_46 : vector<16x16000xf32> to vector<1x1x16x16000xf32>
    tpu.vector_store %arg5[%swap3A_47, %swap3A_48, %swap3A_49, %swap3A_50], %swap3A_53 {strides = array<i32>} : memref<1x8x16x16000xf32, #tpu.memory_space<vmem>>, vector<1x1x16x16000xf32>,
    %slice3A_54 = vector.extract_strided_slice %dot_general3A_15 {offsets = [80, 0], sizes = [16, 16000], strides = [1, 1]} : vector<128x16000xf32> to vector<16x16000xf32>
    %swap3A_55 = arith.constant 0 : index
    %swap3A_56 = arith.constant 5 : index
    %swap3A_57 = arith.constant 0 : index
    %swap3A_58 = arith.constant 0 : index
    %swap3A_59 = vector.load %arg5[%swap3A_55, %swap3A_56, %swap3A_57, %swap3A_58] : memref<1x8x16x16000xf32, #tpu.memory_space<vmem>>, vector<1x1x16x16000xf32>
    %swap3A_60 = vector.shape_cast %swap3A_59 : vector<1x1x16x16000xf32> to vector<16x16000xf32>
    %swap3A_61 = vector.shape_cast %slice3A_54 : vector<16x16000xf32> to vector<1x1x16x16000xf32>
    tpu.vector_store %arg5[%swap3A_55, %swap3A_56, %swap3A_57, %swap3A_58], %swap3A_61 {strides = array<i32>} : memref<1x8x16x16000xf32, #tpu.memory_space<vmem>>, vector<1x1x16x16000xf32>,
    %slice3A_62 = vector.extract_strided_slice %dot_general3A_15 {offsets = [96, 0], sizes = [16, 16000], strides = [1, 1]} : vector<128x16000xf32> to vector<16x16000xf32>
    %swap3A_63 = arith.constant 0 : index
    %swap3A_64 = arith.constant 6 : index
    %swap3A_65 = arith.constant 0 : index
    %swap3A_66 = arith.constant 0 : index
    %swap3A_67 = vector.load %arg5[%swap3A_63, %swap3A_64, %swap3A_65, %swap3A_66] : memref<1x8x16x16000xf32, #tpu.memory_space<vmem>>, vector<1x1x16x16000xf32>
    %swap3A_68 = vector.shape_cast %swap3A_67 : vector<1x1x16x16000xf32> to vector<16x16000xf32>
    %swap3A_69 = vector.shape_cast %slice3A_62 : vector<16x16000xf32> to vector<1x1x16x16000xf32>
    tpu.vector_store %arg5[%swap3A_63, %swap3A_64, %swap3A_65, %swap3A_66], %swap3A_69 {strides = array<i32>} : memref<1x8x16x16000xf32, #tpu.memory_space<vmem>>, vector<1x1x16x16000xf32>,
    %slice3A_70 = vector.extract_strided_slice %dot_general3A_15 {offsets = [112, 0], sizes = [16, 16000], strides = [1, 1]} : vector<128x16000xf32> to vector<16x16000xf32>
    %swap3A_71 = arith.constant 0 : index
    %swap3A_72 = arith.constant 7 : index
    %swap3A_73 = arith.constant 0 : index
    %swap3A_74 = arith.constant 0 : index
    %swap3A_75 = vector.load %arg5[%swap3A_71, %swap3A_72, %swap3A_73, %swap3A_74] : memref<1x8x16x16000xf32, #tpu.memory_space<vmem>>, vector<1x1x16x16000xf32>
    %swap3A_76 = vector.shape_cast %swap3A_75 : vector<1x1x16x16000xf32> to vector<16x16000xf32>
    %swap3A_77 = vector.shape_cast %slice3A_70 : vector<16x16000xf32> to vector<1x1x16x16000xf32>
    tpu.vector_store %arg5[%swap3A_71, %swap3A_72, %swap3A_73, %swap3A_74], %swap3A_77 {strides = array<i32>} : memref<1x8x16x16000xf32, #tpu.memory_space<vmem>>, vector<1x1x16x16000xf32>,
    return
  }
  func.func @transform_0(%arg0: i32, %arg1: i32) -> (i32, i32, i32) {
    %c0_i32 = arith.constant 0 : i32
    %c0_i32_0 = arith.constant 0 : i32
    return %arg0, %c0_i32, %arg1 : i32, i32, i32
  }
  func.func @transform_1(%arg0: i32, %arg1: i32) -> (i32, i32) {
    %c0_i32 = arith.constant 0 : i32
    %c0_i32_0 = arith.constant 0 : i32
    %c0_i32_1 = arith.constant 0 : i32
    return %c0_i32, %c0_i32_0 : i32, i32
  }
  func.func @transform_3(%arg0: i32, %arg1: i32) -> (i32, i32, i32, i32) {
    %add3A = arith.constant 10 : i32
    %add3A_0 = arith.addi %add3A, %arg1 : i32
    %c0_i32 = arith.constant 0 : i32
    %c0_i32_1 = arith.constant 0 : i32
    %c0_i32_2 = arith.constant 0 : i32
    return %arg0, %c0_i32, %c0_i32_1, %add3A_0 : i32, i32, i32, i32
  }
}

</mosaic_0001>

<sc_bundles>
// kernel: kernel.6.cloned.1.call-start
scs
__scs_entry_jumppad:
0x0: {  	(pc) =	sbr.rel $0x88, $3  }
0x1: {  	(tag) =	ssettag $0x0;
	lr =	simm.s32 $0x1  }
0x2: {  	[smem:$0x3F9E] =	sst lr;
	_ =	strace $0xD0000000  }
0x3: {  	_ = 	snop  }
0x4: {  	_ = 	snop  }
0x5: {  	_ = 	snop  }
0x6: {  	_ = 	snop  }
0x7: {  	_ = 	snop  }
__scs_overlays_trampoline_lowered:
0x8: {  	[smem:$0x3FAD] =	sst s0  }
0x9: {  	[smem:$0x3FAE] =	sst s1  }
0xa: {  	[smem:$0x3FAF] =	sst s2  }
0xb: {  	[smem:$0x3FB0] =	sst s3  }
0xc: {  	[smem:$0x3FB1] =	sst s4  }
0xd: {  	[smem:$0x3FB2] =	sst s5  }
0xe: {  	[smem:$0x3FB3] =	sst s6  }
0xf: {  	[smem:$0x3FB4] =	sst s7  }
0x10: {  	[smem:$0x3FB5] =	sst s8  }
0x11: {  	[smem:$0x3FB6] =	sst s9;
	s0 =	simm.s32 @!p0 $0x0  }
0x12: {  	s1 =	sld [smem:$0x3F9C];
	s0 =	simm.s32 @p0 $0x1  }
0x13: {  	[smem:$0x3FB7] =	sst s0;
	s0 =	simm.s32 @!p1 $0x0  }
0x14: {  	s2 =	sld [smem:$0x3F9B];
	s0 =	simm.s32 @p1 $0x1  }
0x15: {  	[smem:$0x3FB8] =	sst s0;
	s0 =	simm.s32 @!p2 $0x0  }
0x16: {  	s3 =	sld [smem:$0x3FDB];
	s0 =	simm.s32 @p2 $0x1  }
0x17: {  	s4 =	simm.s32 $0x1BF5;
	[smem:$0x3FBA] =	sst s0  }
0x18: {  	s0 =	sld [smem:$0x3F9D];
	_ =	swait.ge [sflag:s4], $0x0  }
0x19: {  	s7 =	sld [smem:$0x3F9E]  }
0x1a: {  	s8 =	sadd.s32 $0xFFFFE003, lr  }
0x1b: {  	s9 =	sadd.s32 $0xFFFFFEF7, lr;
	s5 =	simm.s32 $0xFFFFFFFF;
	p2 =	slt.u32 s8, $0xFFFFF086  }
0x1c: {  	p1 =	slt.u32 s9, $0xF7A;
	s5 =	simm.s32 @!p2 $0x0  }
0x1d: {  	s5 =	simm.s32 @p1 $0x1;
	p0 =	seq.s32 s7, s2  }
0x1e: {  	s7 =	smul.u32 @!p0 $0xF7A, s2;
	p2 =	seq.s32 @!p0 s5, $0x0  }
0x1f: {  	s9 =	smul.u32 $0xF7A, s1;
	s8 =	simm.s32 @!p0 $0x1BF5;
	p2 =	por !p2, p0  }
0x20: {  	[sflag:s8] =	ssyncset.s32 @!p0 $0xFFFFF086;
	s6 =	sadd.s32 @!p0 s3, s7;
	s7 =	simm.s32 @!p0 $0x108  }
0x21: {  	s3 =	sadd.s32 s3, s9;
	s6 =	sadd.s32 @!p0 $0x88, s6;
	s7 =	simm.s32 @p2 $0x1082  }
0x22: {  	[simem:s7], [sflag:s8] =	dma.local @!p0 [hbm:s6], $0xF7A  }
0x23: {  	s9 =	sor.u32 $0xD0000000, s2;
	s6 =	simm.s32 $0x108;
	_ =	swait.ge @!p0 [sflag:s8], $0x0  }
0x24: {  	s3 =	sadd.s32 $0x88, s3;
	s6 =	simm.s32 @!p1 $0x1082;
	[sflag:s4] =	ssyncset.s32 $0xFFFFF086  }
0x25: {  	[simem:s6], [sflag:s4] =	dma.local [hbm:s3], $0xF7A  }
0x26: {  	[smem:$0x3F9E] =	sst s1;
	(tag) =	ssettag s2;
	_ =	strace s9  }
0x27: {  	s1 =	sld [smem:$0x3FAE]  }
0x28: {  	s2 =	sld [smem:$0x3FAF]  }
0x29: {  	s4 =	sld [smem:$0x3FB1]  }
0x2a: {  	p0 =	seq.s32 s5, $0x0;
	s5 =	sld [smem:$0x3FB2]  }
0x2b: {  	s6 =	sld [smem:$0x3FB3]  }
0x2c: {  	s7 =	sld [smem:$0x3FB4]  }
0x2d: {  	s3 =	simm.s32 $0x108;
	s8 =	sld [smem:$0x3FB5]  }
0x2e: {  	s3 =	simm.s32 @!p0 $0x1082;
	s9 =	sld [smem:$0x3FB6]  }
0x2f: {  	lr =	sadd.s32 s0, s3;
	s0 =	sld [smem:$0x3FAD]  }
0x30: {  	s3 =	sld [smem:$0x3FB0]  }
0x31: {  	[smem:$0x3FB9] =	sst s10  }
0x32: {  	s10 =	sld [smem:$0x3FB7];
	_ =	sdelay $0x3  }
0x33: {  	p0 =	seq.s32 s10, $0x1;
	s10 =	sld [smem:$0x3FB9];
	_ =	sdelay $0x3  }
0x34: {  	[smem:$0x3FB9] =	sst s10  }
0x35: {  	s10 =	sld [smem:$0x3FB8];
	_ =	sdelay $0x3  }
0x36: {  	p1 =	seq.s32 s10, $0x1;
	s10 =	sld [smem:$0x3FB9];
	_ =	sdelay $0x3  }
0x37: {  	[smem:$0x3FB9] =	sst s10  }
0x38: {  	s10 =	sld [smem:$0x3FBA]  }
0x39: {  	_ = 	snop;
	(pc) =	sbr.ind lr, $3  }
0x3a: {  	_ = 	snop  }
0x3b: {  	_ = 	snop  }
0x3c: {  	p2 =	seq.s32 s10, $0x1;
	s10 =	sld [smem:$0x3FB9]  }
0x3d: {  	_ =	shalt  }
0x3e: {  	_ =	shalt  }
0x3f: {  	_ =	shalt  }
0x40: {  	_ =	shalt  }
0x41: {  	_ =	shalt  }
0x42: {  	_ =	shalt  }
0x43: {  	_ =	shalt  }
0x44: {  	_ =	shalt  }
0x45: {  	_ =	shalt  }
0x46: {  	_ =	shalt  }
0x47: {  	_ =	shalt  }
0x48: {  	_ =	shalt  }
0x49: {  	_ =	shalt  }
0x4a: {  	_ =	shalt  }
0x4b: {  	_ =	shalt  }
0x4c: {  	_ =	shalt  }
0x4d: {  	_ =	shalt  }
0x4e: {  	_ =	shalt  }
0x4f: {  	_ =	shalt  }
0x50: {  	_ =	shalt  }
0x51: {  	_ =	shalt  }
0x52: {  	_ =	shalt  }
0x53: {  	_ =	shalt  }
0x54: {  	_ =	shalt  }
0x55: {  	_ =	shalt  }
0x56: {  	_ =	shalt  }
0x57: {  	_ =	shalt  }
0x58: {  	_ =	shalt  }
0x59: {  	_ =	shalt  }
0x5a: {  	_ =	shalt  }
0x5b: {  	_ =	shalt  }
0x5c: {  	_ =	shalt  }
0x5d: {  	_ =	shalt  }
0x5e: {  	_ =	shalt  }
0x5f: {  	_ =	shalt  }
0x60: {  	_ =	shalt  }
0x61: {  	_ =	shalt  }
0x62: {  	_ =	shalt  }
0x63: {  	_ =	shalt  }
0x64: {  	_ =	shalt  }
0x65: {  	_ =	shalt  }
0x66: {  	_ =	shalt  }
0x67: {  	_ =	shalt  }
0x68: {  	_ =	shalt  }
0x69: {  	_ =	shalt  }
0x6a: {  	_ =	shalt  }
0x6b: {  	_ =	shalt  }
0x6c: {  	_ =	shalt  }
0x6d: {  	_ =	shalt  }
0x6e: {  	_ =	shalt  }
0x6f: {  	_ =	shalt  }
0x70: {  	_ =	shalt  }
0x71: {  	_ =	shalt  }
0x72: {  	_ =	shalt  }
0x73: {  	_ =	shalt  }
0x74: {  	_ =	shalt  }
0x75: {  	_ =	shalt  }
0x76: {  	_ =	shalt  }
0x77: {  	_ =	shalt  }
0x78: {  	_ =	shalt  }
0x79: {  	_ =	shalt  }
0x7a: {  	_ =	shalt  }
0x7b: {  	_ =	shalt  }
0x7c: {  	_ =	shalt  }
0x7d: {  	_ =	shalt  }
0x7e: {  	_ =	shalt  }
0x7f: {  	_ =	shalt  }
0x80: {  	_ =	shalt  }
0x81: {  	_ =	shalt  }
0x82: {  	_ =	shalt  }
0x83: {  	_ =	shalt  }
0x84: {  	_ =	shalt  }
0x85: {  	_ =	shalt  }
0x86: {  	_ =	shalt  }
0x87: {  	_ =	shalt  }
.Lfunc_end0:
.L_simem_size_0:
called_computation_lowered:
.L_overlay_start_0:
0x88: {  	s2 =	sld [smem:$0x3FD9]  }
0x89: {  	s3 =	sld [smem:$0x3FFE];
	_ =	sdelay $0x1  }
0x8a: {  	s1 =	srdreg.scid  }
0x8b: {  	s0 =	sand.u32 $0x1, s1  }
0x8c: {  	s17 =	sshll.u32 s0, $0xA;
	s2 =	sadd.s32 s3, s2  }
0x8d: {  	s2 =	sadd.s32 s2, s17  }
0x8e: {  	[smem:$0x3FC5] =	sst s2  }
0x8f: {  	_ = 	snop  }
0x90: {  	s2 =	sld [smem:$0x3FD0];
	(tm) =	ssettm $0x1  }
0x91: {  	s18 =	sld [smem:$0x3FFB];
	_ =	sdelay $0x3  }
0x92: {  	_ =	strace s18  }
0x93: {  	s3 =	sld [smem:$0x3FFC];
	_ =	sdelay $0x3  }
0x94: {  	_ =	strace s3  }
0x95: {  	s3 =	sld [smem:$0x3FFD];
	_ =	sdelay $0x3  }
0x96: {  	_ =	strace s3  }
0x97: {  	_ =	strace $0x8FFFFFFF  }
0x98: {  	s19 =	sld [smem:$0x3FDB];
	_ =	sdelay $0x1  }
0x99: {  	s4 =	simm.s32 $_scs_section_size  }
0x9a: {  	s5 =	simm.s32 $_size__tile_overlayer_lowered;
	s6 =	simm.s32 $_tile_overlayer_lowered  }
0x9b: {  	s22 =	simm.s32 $0x1BFF;
	s21 =	sshll.u32 s6, $0x1;
	s3 =	sadd.s32 s4, s19  }
0x9c: {  	s7 =	simm.s32 $0x0;
	s20 =	sshll.u32 s5, $0x1;
	s5 =	sadd.s32 s21, s3  }
0x9d: {  	[timem:s7], [sflag:s22] =	dma.local [hbm:s5], s20  }
0x9e: {  	_ =	swait.ge [sflag:s22], s20  }
0x9f: {  	s4 =	ssub.s32 $0x0, s20;
	[sflag:s22] =	ssyncset.done $0x0  }
0xa0: {  	[sflag:s22] =	ssyncadd.s32 s4;
	_ =	sdelay $0x1  }
0xa1: {  	s23 =	simm.s32 $0x1B8B  }
0xa2: {  	_ =	swait.ge [sflag:s23], $0x1  }
0xa3: {  	[sflag:s23] =	ssyncset.done $0x0  }
0xa4: {  	s25 =	simm.s32 $0x1B8E;
	s24 =	sld [smem:$0x3FFE];
	[sflag:s23] =	ssyncadd.s32 $0xFFFFFFFF  }
0xa5: {  	s26 =	simm.s32 $execute0_lowered;
	[smem:$0x3FD2] =	sst s25  }
0xa6: {  	s5 =	sshll.u32 s26, $0x1;
	_ =	strace $0x80000046;
	[dreg:$0x1] =	wrdreg $0xFFFFFFFF  }
0xa7: {  	s28 =	simm.s32 $_size_execute0_lowered;
	s3 =	sadd.s32 s3, s5;
	[dreg:$0x0] =	wrdreg $0x0  }
0xa8: {  	s5 =	sshll.u32 s28, $0x1;
	[dreg:$0x2] =	wrdreg s3  }
0xa9: {  	[dreg:$0x3] =	wrdreg s5  }
0xaa: {  	[dreg:$0x4] =	wrdreg $0xC0  }
0xab: {  	_ =	task [dreg:s7], $0x5FFFF  }
0xac: {  	[dreg:$0x1] =	wrdreg $0xFFFFFFFF  }
0xad: {  	[dreg:$0x0] =	wrdreg $0x60  }
0xae: {  	[dreg:$0x2] =	wrdreg s24  }
0xaf: {  	[dreg:$0x3] =	wrdreg s2  }
0xb0: {  	[dreg:$0x4] =	wrdreg $0x9  }
0xb1: {  	_ =	task.clear_ibuf [dreg:s7], $0x5FFFF;
	_ =	strace $0x90000046  }
0xb2: {  	s29 =	simm.s32 $0x9;
	_ =	strace $0x80000048  }
0xb3: {  	_ =	swait.ge [sflag:s29], $0x1  }
0xb4: {  	[sflag:s29] =	ssyncadd.s32 $0xFFFFFFFF  }
0xb5: {  	_ =	strace $0x90000048  }
0xb6: {  	_ =	sfence  }
0xb7: {  	s30 =	sld [smem:$0x0];
	_ =	sdelay $0x2  }
0xb8: {  	s31 =	sshll.u32 s1, $0xD;
	s1 =	sshrl.u32 s1, $0x2  }
0xb9: {  	s3 =	sand.u32 $0x4000, s31;
	s1 =	sadd.s32 s1, s30  }
0xba: {  	s0 =	sor.u32 s3, s0;
	s1 =	sshll.u32 s1, $0x11  }
0xbb: {  	s0 =	sor.u32 s1, s0  }
0xbc: {  	s0 =	sadd.s32 $0x8F2B, s0  }
0xbd: {  	[sflag:s0] =	ssyncadd.remote.s32 $0x1  }
0xbe: {  	_ =	sfence.sel $0xFFFF  }
0xbf: {  	[dreg:$0x0] =	wrdreg $0xFFFFFFFF;
	(pc) =	sbr.abs _section_cstart, $3  }
0xc0: {  	[dreg:$0x1] =	wrdreg $0xFFFFFFFF  }
0xc1: {  	_ =	task.clear_ibuf [dreg:s7], $0x2FFFF;
	_ =	strace $0x9FFFFFFF  }
0xc2: {  	(tm) =	ssettm $0x7FFFFFFF  }
0xc3: {  	_ =	shalt  }
tec
execute0_lowered:
.L_overlay_start_1:
0x0: {  	(tag) =	ssettag $0x1  }
0x1: {  	s3 =	rddreg [dreg:$0x0]  }
0x2: {  	s6 =	rddreg [dreg:$0x1]  }
0x3: {  	s0 =	rddreg [dreg:$0x2]  }
0x4: {  	s2 =	simm.s32 $0x0;
	s1 =	stileid.u32;
	s5 =	srdreg.scid  }
0x5: {  	s12 =	simm.s32 $0xC380;
	s13 =	simm.s32 $0xC480;
	s14 =	simm.s32 $0x0  }
0x6: {  	s4 =	sshrl.u32 s1, $0x3;
	s7 =	sshll.u32 s1, $0x1;
	s5 =	sand.u32 $0x1, s5  }
0x7: {  	[smem:$0x7FF] =	sst s2;
	s10 =	sadd.s32 $0x2200, s3;
	s8 =	smul.u32 $0x9C4, s4  }
0x8: {  	s11 =	sand.u32 $0xE, s7;
	s4 =	smul.u32 $0x4E2, s4;
	s9 =	ssub.s32 $0x2, s5  }
0x9: {  	_ =	strace $0x80000047;
	s7 =	sor.u32 s5, s11;
	s25 =	sshrl.u32 s9, $0x1  }
0xa: {  	p0 =	sne.s32 s11, $0x0;
	s7 =	smul.u32 $0x4E, s7;
	s8 =	sadd.s32 s8, s3  }
0xb: {  	s11 =	simm.s32 $0x9C80;
	s9 =	ssub.s32 s9, s25;
	s3 =	sadd.s32 $0xE00, s8  }
.Ltmp0:
0xc: {  	s8 =	smax.u32 s9, $0x1;
	s7 =	sadd.s32 s4, s7;
	(pc) =	sbr.rel .LBB2_1-.Ltmp0, $4  }
0xd: {  	s9 =	simm.s32 $0x1;
	s4 =	sor.u32 s5, s4;
	s26 =	sshll.u32 s7, $0x5  }
0xe: {  	s28 =	sadd.s32 $0x4E0, s4;
	s29 =	sshll.u32 s7, $0x4;
	s4 =	sadd.s32 s6, s26  }
0xf: {  	s30 =	sshll.u32 s28, $0x5;
	s5 =	sadd.s32 s10, s29;
	s31 =	sshll.u32 s28, $0x4  }
0x10: {  	s6 =	sadd.s32 s6, s30;
	s7 =	sadd.s32 s10, s31;
	s10 =	simm.s32 $0x4E80  }
.LBB2_5:
0x11: {  	s14 =	sadd.s32 $0x1, s14  }
0x12: {  	p1 =	sne.s32 s14, s8  }
.Ltmp1:
0x13: {  	_ = 	snop;
	(pc) =	sbr.rel @!p1 .LBB2_6-.Ltmp1, $1  }
0x14: {  	_ =	sdelay $0x3  }
.LBB2_1:
0x15: {  	[tilespmem:s2], [sflag:$0x1] =	stream.linear.gather [hbm4b:s3+s2], $0x4E20, $0x38;
	[tilespmem:$0xC500] =	vst v63  }
0x16: {  	_ =	swait.ge [sflag:s9], $0x4E20  }
0x17: {  	[sflag:s9] =	ssyncset.done $0x0  }
0x18: {  	[sflag:s9] =	ssyncadd.s32 $0xFFFFB1E0  }
0x19: {  	[tilespmem:s10], [sflag:$0x1] =	stream.linear.gather [hbm4b:s4+s2], $0x4E00, $0x38;
	[tilespmem:$0xC500] =	vst v63  }
0x1a: {  	_ =	swait.ge [sflag:s9], $0x4E00  }
0x1b: {  	[sflag:s9] =	ssyncset.done $0x0  }
0x1c: {  	s15 =	simm.s32 $0x4F00;
	s16 =	simm.s32 $0x0;
	[sflag:s9] =	ssyncadd.s32 $0xFFFFB200  }
.LBB2_2:
0x1d: {  	v0 =	vld [tilespmem:s15+$0xFFFFFF80]  }
0x1e: {  	v1 =	vld [tilespmem:s15+$0x0];
	_ =	sdelay $0x3  }
0x1f: {  	v0 =	vshll.u32 v0, $0x1  }
0x20: {  	v1 =	vshll.u32 v1, $0x1  }
0x21: {  	v2 =	vor.u32 $0x1, v0  }
0x22: {  	v3 =	vor.u32 $0x1, v1;
	_ =	sdelay $0x1  }
0x23: {  	v0 =	vld.idx.msk [tilespmem:v0+s2+$0x0], $0xffff  }
0x24: {  	v1 =	vld.idx.msk [tilespmem:v1+s2+$0x0], $0xffff  }
0x25: {  	v2 =	vld.idx.msk [tilespmem:v2+s2+$0x0], $0xffff  }
0x26: {  	v3 =	vld.idx.msk [tilespmem:v3+s2+$0x0], $0xffff;
	_ =	sdelay $0x4  }
0x27: {  	v0 =	vsub.f32 v0, v1;
	v35 =	vsub.f32 v2, v3;
	_ =	sdelay $0x1  }
0x28: {  	v0 =	vmul.f32 v0, v0;
	v1 =	vmul.f32 v35, v35;
	_ =	sdelay $0x1  }
0x29: {  	v0 =	vadd.f32 v1, v0  }
0x2a: {  	s17 =	sshra.s32 s16, $0x2  }
0x2b: {  	[tilespmem:s17+$0x9C80] =	vst v0  }
0x2c: {  	v0 =	vld [tilespmem:s15+$0xFFFFFF90]  }
0x2d: {  	v36 =	vld [tilespmem:s15+$0x10];
	_ =	sdelay $0x3  }
0x2e: {  	v0 =	vshll.u32 v0, $0x1  }
0x2f: {  	v1 =	vshll.u32 v36, $0x1  }
0x30: {  	v37 =	vor.u32 $0x1, v0  }
0x31: {  	v38 =	vor.u32 $0x1, v1;
	_ =	sdelay $0x1  }
0x32: {  	v0 =	vld.idx.msk [tilespmem:v0+s2+$0x0], $0xffff  }
0x33: {  	v1 =	vld.idx.msk [tilespmem:v1+s2+$0x0], $0xffff  }
0x34: {  	v2 =	vld.idx.msk [tilespmem:v37+s2+$0x0], $0xffff  }
0x35: {  	v3 =	vld.idx.msk [tilespmem:v38+s2+$0x0], $0xffff;
	_ =	sdelay $0x4  }
0x36: {  	v0 =	vsub.f32 v0, v1;
	v39 =	vsub.f32 v2, v3;
	_ =	sdelay $0x1  }
0x37: {  	v0 =	vmul.f32 v0, v0;
	v1 =	vmul.f32 v39, v39;
	_ =	sdelay $0x1  }
0x38: {  	v0 =	vadd.f32 v1, v0;
	_ =	sdelay $0x1  }
0x39: {  	[tilespmem:s17+$0x9C90] =	vst v0  }
0x3a: {  	v0 =	vld [tilespmem:s15+$0xFFFFFFA0]  }
0x3b: {  	v40 =	vld [tilespmem:s15+$0x20];
	_ =	sdelay $0x3  }
0x3c: {  	v0 =	vshll.u32 v0, $0x1  }
0x3d: {  	v1 =	vshll.u32 v40, $0x1  }
0x3e: {  	v41 =	vor.u32 $0x1, v0  }
0x3f: {  	v42 =	vor.u32 $0x1, v1;
	_ =	sdelay $0x1  }
0x40: {  	v0 =	vld.idx.msk [tilespmem:v0+s2+$0x0], $0xffff  }
0x41: {  	v1 =	vld.idx.msk [tilespmem:v1+s2+$0x0], $0xffff  }
0x42: {  	v2 =	vld.idx.msk [tilespmem:v41+s2+$0x0], $0xffff  }
0x43: {  	v3 =	vld.idx.msk [tilespmem:v42+s2+$0x0], $0xffff;
	_ =	sdelay $0x4  }
0x44: {  	v0 =	vsub.f32 v0, v1;
	v43 =	vsub.f32 v2, v3;
	_ =	sdelay $0x1  }
0x45: {  	v0 =	vmul.f32 v0, v0;
	v1 =	vmul.f32 v43, v43;
	_ =	sdelay $0x1  }
0x46: {  	v0 =	vadd.f32 v1, v0;
	_ =	sdelay $0x1  }
0x47: {  	[tilespmem:s17+$0x9CA0] =	vst v0  }
0x48: {  	v0 =	vld [tilespmem:s15+$0xFFFFFFB0]  }
0x49: {  	v44 =	vld [tilespmem:s15+$0x30];
	_ =	sdelay $0x3  }
0x4a: {  	v0 =	vshll.u32 v0, $0x1  }
0x4b: {  	v1 =	vshll.u32 v44, $0x1  }
0x4c: {  	v45 =	vor.u32 $0x1, v0  }
0x4d: {  	v46 =	vor.u32 $0x1, v1;
	_ =	sdelay $0x1  }
0x4e: {  	v0 =	vld.idx.msk [tilespmem:v0+s2+$0x0], $0xffff  }
0x4f: {  	v1 =	vld.idx.msk [tilespmem:v1+s2+$0x0], $0xffff  }
0x50: {  	v2 =	vld.idx.msk [tilespmem:v45+s2+$0x0], $0xffff  }
0x51: {  	v3 =	vld.idx.msk [tilespmem:v46+s2+$0x0], $0xffff;
	_ =	sdelay $0x4  }
0x52: {  	v0 =	vsub.f32 v0, v1;
	v47 =	vsub.f32 v2, v3;
	_ =	sdelay $0x1  }
0x53: {  	v0 =	vmul.f32 v0, v0;
	v1 =	vmul.f32 v47, v47;
	_ =	sdelay $0x1  }
0x54: {  	v0 =	vadd.f32 v1, v0;
	_ =	sdelay $0x1  }
0x55: {  	[tilespmem:s17+$0x9CB0] =	vst v0  }
0x56: {  	v0 =	vld [tilespmem:s15+$0xFFFFFFC0]  }
0x57: {  	v48 =	vld [tilespmem:s15+$0x40];
	_ =	sdelay $0x3  }
0x58: {  	v0 =	vshll.u32 v0, $0x1  }
0x59: {  	v1 =	vshll.u32 v48, $0x1  }
0x5a: {  	v49 =	vor.u32 $0x1, v0  }
0x5b: {  	v50 =	vor.u32 $0x1, v1;
	_ =	sdelay $0x1  }
0x5c: {  	v0 =	vld.idx.msk [tilespmem:v0+s2+$0x0], $0xffff  }
0x5d: {  	v1 =	vld.idx.msk [tilespmem:v1+s2+$0x0], $0xffff  }
0x5e: {  	v2 =	vld.idx.msk [tilespmem:v49+s2+$0x0], $0xffff  }
0x5f: {  	v3 =	vld.idx.msk [tilespmem:v50+s2+$0x0], $0xffff;
	_ =	sdelay $0x4  }
0x60: {  	v0 =	vsub.f32 v0, v1;
	v51 =	vsub.f32 v2, v3;
	_ =	sdelay $0x1  }
0x61: {  	v0 =	vmul.f32 v0, v0;
	v1 =	vmul.f32 v51, v51;
	_ =	sdelay $0x1  }
0x62: {  	v0 =	vadd.f32 v1, v0;
	_ =	sdelay $0x1  }
0x63: {  	[tilespmem:s17+$0x9CC0] =	vst v0  }
0x64: {  	v0 =	vld [tilespmem:s15+$0xFFFFFFD0]  }
0x65: {  	v52 =	vld [tilespmem:s15+$0x50];
	_ =	sdelay $0x3  }
0x66: {  	v0 =	vshll.u32 v0, $0x1  }
0x67: {  	v1 =	vshll.u32 v52, $0x1  }
0x68: {  	v53 =	vor.u32 $0x1, v0  }
0x69: {  	v54 =	vor.u32 $0x1, v1;
	_ =	sdelay $0x1  }
0x6a: {  	v0 =	vld.idx.msk [tilespmem:v0+s2+$0x0], $0xffff  }
0x6b: {  	v1 =	vld.idx.msk [tilespmem:v1+s2+$0x0], $0xffff  }
0x6c: {  	v2 =	vld.idx.msk [tilespmem:v53+s2+$0x0], $0xffff  }
0x6d: {  	v3 =	vld.idx.msk [tilespmem:v54+s2+$0x0], $0xffff;
	_ =	sdelay $0x4  }
0x6e: {  	v0 =	vsub.f32 v0, v1;
	v55 =	vsub.f32 v2, v3;
	_ =	sdelay $0x1  }
0x6f: {  	v0 =	vmul.f32 v0, v0;
	v1 =	vmul.f32 v55, v55;
	_ =	sdelay $0x1  }
0x70: {  	v0 =	vadd.f32 v1, v0;
	_ =	sdelay $0x1  }
0x71: {  	[tilespmem:s17+$0x9CD0] =	vst v0  }
0x72: {  	v0 =	vld [tilespmem:s15+$0xFFFFFFE0]  }
0x73: {  	v56 =	vld [tilespmem:s15+$0x60];
	_ =	sdelay $0x3  }
0x74: {  	v0 =	vshll.u32 v0, $0x1  }
0x75: {  	v1 =	vshll.u32 v56, $0x1  }
0x76: {  	v57 =	vor.u32 $0x1, v0  }
0x77: {  	v58 =	vor.u32 $0x1, v1;
	_ =	sdelay $0x1  }
0x78: {  	v0 =	vld.idx.msk [tilespmem:v0+s2+$0x0], $0xffff  }
0x79: {  	v1 =	vld.idx.msk [tilespmem:v1+s2+$0x0], $0xffff  }
0x7a: {  	v2 =	vld.idx.msk [tilespmem:v57+s2+$0x0], $0xffff  }
0x7b: {  	v3 =	vld.idx.msk [tilespmem:v58+s2+$0x0], $0xffff;
	_ =	sdelay $0x4  }
0x7c: {  	v0 =	vsub.f32 v0, v1;
	v59 =	vsub.f32 v2, v3;
	_ =	sdelay $0x1  }
0x7d: {  	v0 =	vmul.f32 v0, v0;
	v1 =	vmul.f32 v59, v59;
	_ =	sdelay $0x1  }
0x7e: {  	v0 =	vadd.f32 v1, v0;
	_ =	sdelay $0x1  }
0x7f: {  	[tilespmem:s17+$0x9CE0] =	vst v0  }
0x80: {  	v0 =	vld [tilespmem:s15+$0xFFFFFFF0]  }
0x81: {  	v60 =	vld [tilespmem:s15+$0x70];
	_ =	sdelay $0x3  }
0x82: {  	v0 =	vshll.u32 v0, $0x1  }
0x83: {  	v1 =	vshll.u32 v60, $0x1  }
0x84: {  	v61 =	vor.u32 $0x1, v0  }
0x85: {  	v62 =	vor.u32 $0x1, v1;
	_ =	sdelay $0x1  }
0x86: {  	v0 =	vld.idx.msk [tilespmem:v0+s2+$0x0], $0xffff  }
0x87: {  	v1 =	vld.idx.msk [tilespmem:v1+s2+$0x0], $0xffff  }
0x88: {  	v2 =	vld.idx.msk [tilespmem:v61+s2+$0x0], $0xffff  }
0x89: {  	v3 =	vld.idx.msk [tilespmem:v62+s2+$0x0], $0xffff;
	_ =	sdelay $0x4  }
0x8a: {  	v0 =	vsub.f32 v0, v1;
	v63 =	vsub.f32 v2, v3  }
0x8b: {  	p1 =	sne.s32 s16, $0x9A00  }
.Ltmp2:
0x8c: {  	v0 =	vmul.f32 v0, v0;
	v1 =	vmul.f32 v63, v63;
	(pc) =	sbr.rel @p1 .LBB2_2-.Ltmp2, $3  }
0x8d: {  	_ = 	snop  }
0x8e: {  	v0 =	vadd.f32 v1, v0;
	_ =	sdelay $0x1  }
0x8f: {  	s16 =	sadd.s32 $0x200, s16;
	s15 =	sadd.s32 $0x100, s15;
	[tilespmem:s17+$0x9CF0] =	vst v0  }
.Ltmp3:
0x90: {  	(pc) =	sbr.rel @p0 .LBB2_5-.Ltmp3, $4  }
0x91: {  	[hbm4b:s5+s2] =	stream.linear.scatter [tilespmem:s11], [sflag:$0x1], $0x2700, $0x38;
	[tilespmem:$0xC500] =	vst v63  }
0x92: {  	_ =	swait.ge [sflag:s9], $0x2700  }
0x93: {  	[sflag:s9] =	ssyncset.done $0x0  }
0x94: {  	[sflag:s9] =	ssyncadd.s32 $0xFFFFD900  }
0x95: {  	[tilespmem:s12], [sflag:$0x1] =	stream.linear.gather [hbm4b:s6+s2], $0x100, $0x38;
	[tilespmem:$0xC500] =	vst v63  }
0x96: {  	_ =	swait.ge [sflag:s9], $0x100  }
0x97: {  	[sflag:s9] =	ssyncset.done $0x0  }
0x98: {  	[sflag:s9] =	ssyncadd.s32 $0xFFFFFF00  }
0x99: {  	v0 =	vld [tilespmem:$0xC380]  }
0x9a: {  	v1 =	vld [tilespmem:$0xC400];
	_ =	sdelay $0x3  }
0x9b: {  	v0 =	vshll.u32 v0, $0x1  }
0x9c: {  	v1 =	vshll.u32 v1, $0x1  }
0x9d: {  	v2 =	vor.u32 $0x1, v0  }
0x9e: {  	v3 =	vor.u32 $0x1, v1;
	_ =	sdelay $0x1  }
0x9f: {  	v0 =	vld.idx.msk [tilespmem:v0+s2+$0x0], $0xffff  }
0xa0: {  	v1 =	vld.idx.msk [tilespmem:v1+s2+$0x0], $0xffff  }
0xa1: {  	v2 =	vld.idx.msk [tilespmem:v2+s2+$0x0], $0xffff  }
0xa2: {  	v3 =	vld.idx.msk [tilespmem:v3+s2+$0x0], $0xffff;
	_ =	sdelay $0x1  }
0xa3: {  	v4 =	vld [tilespmem:$0xC390];
	_ =	sdelay $0x1  }
0xa4: {  	v5 =	vld [tilespmem:$0xC410]  }
0xa5: {  	v0 =	vsub.f32 v0, v1;
	v58 =	vsub.f32 v2, v3;
	_ =	sdelay $0x1  }
0xa6: {  	v59 =	vshll.u32 v4, $0x1;
	v0 =	vmul.f32 v0, v0;
	v1 =	vmul.f32 v58, v58  }
0xa7: {  	v60 =	vor.u32 $0x1, v59  }
0xa8: {  	v61 =	vshll.u32 v5, $0x1;
	v0 =	vadd.f32 v1, v0  }
0xa9: {  	v62 =	vor.u32 $0x1, v61  }
0xaa: {  	[tilespmem:$0xC480] =	vst v0  }
0xab: {  	v0 =	vld.idx.msk [tilespmem:v59+s2+$0x0], $0xffff  }
0xac: {  	v63 =	vld.idx.msk [tilespmem:v60+s2+$0x0], $0xffff  }
0xad: {  	v1 =	vld.idx.msk [tilespmem:v61+s2+$0x0], $0xffff  }
0xae: {  	v8 =	vld.idx.msk [tilespmem:v62+s2+$0x0], $0xffff;
	_ =	sdelay $0x1  }
0xaf: {  	v9 =	vld [tilespmem:$0xC3A0];
	_ =	sdelay $0x1  }
0xb0: {  	v10 =	vld [tilespmem:$0xC420]  }
0xb1: {  	v0 =	vsub.f32 v0, v1;
	v11 =	vsub.f32 v63, v8;
	_ =	sdelay $0x1  }
0xb2: {  	v12 =	vshll.u32 v9, $0x1;
	v0 =	vmul.f32 v0, v0;
	v1 =	vmul.f32 v11, v11  }
0xb3: {  	v13 =	vor.u32 $0x1, v12  }
0xb4: {  	v14 =	vshll.u32 v10, $0x1;
	v0 =	vadd.f32 v1, v0  }
0xb5: {  	v15 =	vor.u32 $0x1, v14  }
0xb6: {  	[tilespmem:$0xC490] =	vst v0  }
0xb7: {  	v0 =	vld.idx.msk [tilespmem:v12+s2+$0x0], $0xffff  }
0xb8: {  	v16 =	vld.idx.msk [tilespmem:v13+s2+$0x0], $0xffff  }
0xb9: {  	v1 =	vld.idx.msk [tilespmem:v14+s2+$0x0], $0xffff  }
0xba: {  	v17 =	vld.idx.msk [tilespmem:v15+s2+$0x0], $0xffff;
	_ =	sdelay $0x1  }
0xbb: {  	v18 =	vld [tilespmem:$0xC3B0];
	_ =	sdelay $0x1  }
0xbc: {  	v19 =	vld [tilespmem:$0xC430]  }
0xbd: {  	v0 =	vsub.f32 v0, v1;
	v20 =	vsub.f32 v16, v17;
	_ =	sdelay $0x1  }
0xbe: {  	v21 =	vshll.u32 v18, $0x1;
	v0 =	vmul.f32 v0, v0;
	v1 =	vmul.f32 v20, v20  }
0xbf: {  	v22 =	vor.u32 $0x1, v21  }
0xc0: {  	v23 =	vshll.u32 v19, $0x1;
	v0 =	vadd.f32 v1, v0  }
0xc1: {  	v24 =	vor.u32 $0x1, v23  }
0xc2: {  	[tilespmem:$0xC4A0] =	vst v0  }
0xc3: {  	v0 =	vld.idx.msk [tilespmem:v21+s2+$0x0], $0xffff  }
0xc4: {  	v25 =	vld.idx.msk [tilespmem:v22+s2+$0x0], $0xffff  }
0xc5: {  	v1 =	vld.idx.msk [tilespmem:v23+s2+$0x0], $0xffff  }
0xc6: {  	v26 =	vld.idx.msk [tilespmem:v24+s2+$0x0], $0xffff;
	_ =	sdelay $0x1  }
0xc7: {  	v27 =	vld [tilespmem:$0xC3C0];
	_ =	sdelay $0x1  }
0xc8: {  	v28 =	vld [tilespmem:$0xC440]  }
0xc9: {  	v0 =	vsub.f32 v0, v1;
	v29 =	vsub.f32 v25, v26;
	_ =	sdelay $0x1  }
0xca: {  	v30 =	vshll.u32 v27, $0x1;
	v0 =	vmul.f32 v0, v0;
	v1 =	vmul.f32 v29, v29  }
0xcb: {  	v31 =	vor.u32 $0x1, v30  }
0xcc: {  	v32 =	vshll.u32 v28, $0x1;
	v0 =	vadd.f32 v1, v0  }
0xcd: {  	v33 =	vor.u32 $0x1, v32  }
0xce: {  	[tilespmem:$0xC4B0] =	vst v0  }
0xcf: {  	v0 =	vld.idx.msk [tilespmem:v30+s2+$0x0], $0xffff  }
0xd0: {  	v34 =	vld.idx.msk [tilespmem:v31+s2+$0x0], $0xffff  }
0xd1: {  	v1 =	vld.idx.msk [tilespmem:v32+s2+$0x0], $0xffff  }
0xd2: {  	v35 =	vld.idx.msk [tilespmem:v33+s2+$0x0], $0xffff;
	_ =	sdelay $0x1  }
0xd3: {  	v36 =	vld [tilespmem:$0xC3D0];
	_ =	sdelay $0x1  }
0xd4: {  	v37 =	vld [tilespmem:$0xC450]  }
0xd5: {  	v0 =	vsub.f32 v0, v1;
	v38 =	vsub.f32 v34, v35;
	_ =	sdelay $0x1  }
0xd6: {  	v39 =	vshll.u32 v36, $0x1;
	v0 =	vmul.f32 v0, v0;
	v1 =	vmul.f32 v38, v38  }
0xd7: {  	v40 =	vor.u32 $0x1, v39  }
0xd8: {  	v41 =	vshll.u32 v37, $0x1;
	v0 =	vadd.f32 v1, v0  }
0xd9: {  	v42 =	vor.u32 $0x1, v41  }
0xda: {  	[tilespmem:$0xC4C0] =	vst v0  }
0xdb: {  	v0 =	vld.idx.msk [tilespmem:v39+s2+$0x0], $0xffff  }
0xdc: {  	v43 =	vld.idx.msk [tilespmem:v40+s2+$0x0], $0xffff  }
0xdd: {  	v1 =	vld.idx.msk [tilespmem:v41+s2+$0x0], $0xffff  }
0xde: {  	v44 =	vld.idx.msk [tilespmem:v42+s2+$0x0], $0xffff;
	_ =	sdelay $0x1  }
0xdf: {  	v45 =	vld [tilespmem:$0xC3E0];
	_ =	sdelay $0x1  }
0xe0: {  	v46 =	vld [tilespmem:$0xC460]  }
0xe1: {  	v0 =	vsub.f32 v0, v1;
	v47 =	vsub.f32 v43, v44;
	_ =	sdelay $0x1  }
0xe2: {  	v48 =	vshll.u32 v45, $0x1;
	v0 =	vmul.f32 v0, v0;
	v1 =	vmul.f32 v47, v47  }
0xe3: {  	v49 =	vor.u32 $0x1, v48  }
0xe4: {  	v50 =	vshll.u32 v46, $0x1;
	v0 =	vadd.f32 v1, v0  }
0xe5: {  	v51 =	vor.u32 $0x1, v50  }
0xe6: {  	[tilespmem:$0xC4D0] =	vst v0  }
0xe7: {  	v0 =	vld.idx.msk [tilespmem:v48+s2+$0x0], $0xffff  }
0xe8: {  	v52 =	vld.idx.msk [tilespmem:v49+s2+$0x0], $0xffff  }
0xe9: {  	v1 =	vld.idx.msk [tilespmem:v50+s2+$0x0], $0xffff  }
0xea: {  	v53 =	vld.idx.msk [tilespmem:v51+s2+$0x0], $0xffff;
	_ =	sdelay $0x1  }
0xeb: {  	v54 =	vld [tilespmem:$0xC3F0];
	_ =	sdelay $0x1  }
0xec: {  	v55 =	vld [tilespmem:$0xC470]  }
0xed: {  	v0 =	vsub.f32 v0, v1;
	v56 =	vsub.f32 v52, v53;
	_ =	sdelay $0x1  }
0xee: {  	v57 =	vshll.u32 v54, $0x1;
	v0 =	vmul.f32 v0, v0;
	v1 =	vmul.f32 v56, v56  }
0xef: {  	v58 =	vor.u32 $0x1, v57  }
0xf0: {  	v59 =	vshll.u32 v55, $0x1;
	v0 =	vadd.f32 v1, v0  }
0xf1: {  	v60 =	vor.u32 $0x1, v59  }
0xf2: {  	[tilespmem:$0xC4E0] =	vst v0  }
0xf3: {  	v0 =	vld.idx.msk [tilespmem:v57+s2+$0x0], $0xffff  }
0xf4: {  	v61 =	vld.idx.msk [tilespmem:v58+s2+$0x0], $0xffff  }
0xf5: {  	v1 =	vld.idx.msk [tilespmem:v59+s2+$0x0], $0xffff  }
0xf6: {  	v62 =	vld.idx.msk [tilespmem:v60+s2+$0x0], $0xffff;
	_ =	sdelay $0x4  }
0xf7: {  	v0 =	vsub.f32 v0, v1;
	v63 =	vsub.f32 v61, v62;
	_ =	sdelay $0x1  }
0xf8: {  	v0 =	vmul.f32 v0, v0;
	v1 =	vmul.f32 v63, v63;
	_ =	sdelay $0x1  }
0xf9: {  	v0 =	vadd.f32 v1, v0;
	_ =	sdelay $0x1  }
.Ltmp4:
0xfa: {  	[tilespmem:$0xC4F0] =	vst v0;
	(pc) =	sbr.rel .LBB2_5-.Ltmp4, $4  }
0xfb: {  	[hbm4b:s7+s2] =	stream.linear.scatter [tilespmem:s13], [sflag:$0x1], $0x80, $0x38;
	[tilespmem:$0xC500] =	vst v63  }
0xfc: {  	_ =	swait.ge [sflag:s9], $0x80  }
0xfd: {  	[sflag:s9] =	ssyncset.done $0x0  }
0xfe: {  	[sflag:s9] =	ssyncadd.s32 $0xFFFFFF80  }
.LBB2_6:
0xff: {  	_ =	sfence.sel $0x180000  }
0x100: {  	[bflag:$0x0] =	sbarrier.arrive $0xFFFF  }
0x101: {  	p0 =	sne.s32 s1, $0x0;
	_ =	strace $0x90000047  }
0x102: {  	s0 =	sadd.s32 @!p0 $0x100000, s0;
	[bflag:$0x2] =	sbarrier.arrive $0xFFFF  }
0x103: {  	[sflag:s0] =	ssyncadd.tile.s32 @!p0 $0x1;
	_ =	shalt  }
.Lfunc_end2:
_tile_overlayer_lowered:
.L_overlay_start_2:
0x104: {  	(tag) =	ssettag $0x2  }
0x105: {  	s0 =	rddreg [dreg:$0x0];
	s2 =	stileid.u32  }
0x106: {  	s1 =	rddreg [dreg:$0x1];
	p0 =	sne.s32 s2, $0x0  }
0x107: {  	s3 =	rddreg [dreg:$0x2];
	[bflag:$0x3] =	sbarrier.arrive $0xFFFF;
	s2 =	simm.s32 @!p0 $0x1C01  }
0x108: {  	[timem:s3], [sflag:s2] =	dma.local @!p0 [hbm:s0], s1  }
0x109: {  	s0 =	simm.s32 @!p0 $0x1  }
0x10a: {  	_ =	swait.ge @!p0 [sflag:s0], s1  }
0x10b: {  	s1 =	ssub.s32 @!p0 $0x0, s1;
	[sflag:s0] =	ssyncset.done @!p0 $0x0  }
0x10c: {  	[sflag:s0] =	ssyncadd.s32 @!p0 s1  }
0x10d: {  	[bflag:$0x3] =	sbarrier.arrive $0xFFFF  }
0x10e: {  	_ =	shalt  }

// kernel: kernel.9.cloned.1.call-start
scs
__scs_entry_jumppad:
0x0: {  	(pc) =	sbr.rel $0x88, $3  }
0x1: {  	(tag) =	ssettag $0x0;
	lr =	simm.s32 $0x1  }
0x2: {  	[smem:$0x3F9E] =	sst lr;
	_ =	strace $0xD0000000  }
0x3: {  	_ = 	snop  }
0x4: {  	_ = 	snop  }
0x5: {  	_ = 	snop  }
0x6: {  	_ = 	snop  }
0x7: {  	_ = 	snop  }
__scs_overlays_trampoline_lowered:
0x8: {  	[smem:$0x3FAD] =	sst s0  }
0x9: {  	[smem:$0x3FAE] =	sst s1  }
0xa: {  	[smem:$0x3FAF] =	sst s2  }
0xb: {  	[smem:$0x3FB0] =	sst s3  }
0xc: {  	[smem:$0x3FB1] =	sst s4  }
0xd: {  	[smem:$0x3FB2] =	sst s5  }
0xe: {  	[smem:$0x3FB3] =	sst s6  }
0xf: {  	[smem:$0x3FB4] =	sst s7  }
0x10: {  	[smem:$0x3FB5] =	sst s8  }
0x11: {  	[smem:$0x3FB6] =	sst s9;
	s0 =	simm.s32 @!p0 $0x0  }
0x12: {  	s1 =	sld [smem:$0x3F9C];
	s0 =	simm.s32 @p0 $0x1  }
0x13: {  	[smem:$0x3FB7] =	sst s0;
	s0 =	simm.s32 @!p1 $0x0  }
0x14: {  	s2 =	sld [smem:$0x3F9B];
	s0 =	simm.s32 @p1 $0x1  }
0x15: {  	[smem:$0x3FB8] =	sst s0;
	s0 =	simm.s32 @!p2 $0x0  }
0x16: {  	s3 =	sld [smem:$0x3FDB];
	s0 =	simm.s32 @p2 $0x1  }
0x17: {  	s4 =	simm.s32 $0x1BF5;
	[smem:$0x3FBA] =	sst s0  }
0x18: {  	s0 =	sld [smem:$0x3F9D];
	_ =	swait.ge [sflag:s4], $0x0  }
0x19: {  	s7 =	sld [smem:$0x3F9E]  }
0x1a: {  	s8 =	sadd.s32 $0xFFFFE003, lr  }
0x1b: {  	s9 =	sadd.s32 $0xFFFFFEF7, lr;
	s5 =	simm.s32 $0xFFFFFFFF;
	p2 =	slt.u32 s8, $0xFFFFF086  }
0x1c: {  	p1 =	slt.u32 s9, $0xF7A;
	s5 =	simm.s32 @!p2 $0x0  }
0x1d: {  	s5 =	simm.s32 @p1 $0x1;
	p0 =	seq.s32 s7, s2  }
0x1e: {  	s7 =	smul.u32 @!p0 $0xF7A, s2;
	p2 =	seq.s32 @!p0 s5, $0x0  }
0x1f: {  	s9 =	smul.u32 $0xF7A, s1;
	s8 =	simm.s32 @!p0 $0x1BF5;
	p2 =	por !p2, p0  }
0x20: {  	[sflag:s8] =	ssyncset.s32 @!p0 $0xFFFFF086;
	s6 =	sadd.s32 @!p0 s3, s7;
	s7 =	simm.s32 @!p0 $0x108  }
0x21: {  	s3 =	sadd.s32 s3, s9;
	s6 =	sadd.s32 @!p0 $0x88, s6;
	s7 =	simm.s32 @p2 $0x1082  }
0x22: {  	[simem:s7], [sflag:s8] =	dma.local @!p0 [hbm:s6], $0xF7A  }
0x23: {  	s9 =	sor.u32 $0xD0000000, s2;
	s6 =	simm.s32 $0x108;
	_ =	swait.ge @!p0 [sflag:s8], $0x0  }
0x24: {  	s3 =	sadd.s32 $0x88, s3;
	s6 =	simm.s32 @!p1 $0x1082;
	[sflag:s4] =	ssyncset.s32 $0xFFFFF086  }
0x25: {  	[simem:s6], [sflag:s4] =	dma.local [hbm:s3], $0xF7A  }
0x26: {  	[smem:$0x3F9E] =	sst s1;
	(tag) =	ssettag s2;
	_ =	strace s9  }
0x27: {  	s1 =	sld [smem:$0x3FAE]  }
0x28: {  	s2 =	sld [smem:$0x3FAF]  }
0x29: {  	s4 =	sld [smem:$0x3FB1]  }
0x2a: {  	p0 =	seq.s32 s5, $0x0;
	s5 =	sld [smem:$0x3FB2]  }
0x2b: {  	s6 =	sld [smem:$0x3FB3]  }
0x2c: {  	s7 =	sld [smem:$0x3FB4]  }
0x2d: {  	s3 =	simm.s32 $0x108;
	s8 =	sld [smem:$0x3FB5]  }
0x2e: {  	s3 =	simm.s32 @!p0 $0x1082;
	s9 =	sld [smem:$0x3FB6]  }
0x2f: {  	lr =	sadd.s32 s0, s3;
	s0 =	sld [smem:$0x3FAD]  }
0x30: {  	s3 =	sld [smem:$0x3FB0]  }
0x31: {  	[smem:$0x3FB9] =	sst s10  }
0x32: {  	s10 =	sld [smem:$0x3FB7];
	_ =	sdelay $0x3  }
0x33: {  	p0 =	seq.s32 s10, $0x1;
	s10 =	sld [smem:$0x3FB9];
	_ =	sdelay $0x3  }
0x34: {  	[smem:$0x3FB9] =	sst s10  }
0x35: {  	s10 =	sld [smem:$0x3FB8];
	_ =	sdelay $0x3  }
0x36: {  	p1 =	seq.s32 s10, $0x1;
	s10 =	sld [smem:$0x3FB9];
	_ =	sdelay $0x3  }
0x37: {  	[smem:$0x3FB9] =	sst s10  }
0x38: {  	s10 =	sld [smem:$0x3FBA]  }
0x39: {  	_ = 	snop;
	(pc) =	sbr.ind lr, $3  }
0x3a: {  	_ = 	snop  }
0x3b: {  	_ = 	snop  }
0x3c: {  	p2 =	seq.s32 s10, $0x1;
	s10 =	sld [smem:$0x3FB9]  }
0x3d: {  	_ =	shalt  }
0x3e: {  	_ =	shalt  }
0x3f: {  	_ =	shalt  }
0x40: {  	_ =	shalt  }
0x41: {  	_ =	shalt  }
0x42: {  	_ =	shalt  }
0x43: {  	_ =	shalt  }
0x44: {  	_ =	shalt  }
0x45: {  	_ =	shalt  }
0x46: {  	_ =	shalt  }
0x47: {  	_ =	shalt  }
0x48: {  	_ =	shalt  }
0x49: {  	_ =	shalt  }
0x4a: {  	_ =	shalt  }
0x4b: {  	_ =	shalt  }
0x4c: {  	_ =	shalt  }
0x4d: {  	_ =	shalt  }
0x4e: {  	_ =	shalt  }
0x4f: {  	_ =	shalt  }
0x50: {  	_ =	shalt  }
0x51: {  	_ =	shalt  }
0x52: {  	_ =	shalt  }
0x53: {  	_ =	shalt  }
0x54: {  	_ =	shalt  }
0x55: {  	_ =	shalt  }
0x56: {  	_ =	shalt  }
0x57: {  	_ =	shalt  }
0x58: {  	_ =	shalt  }
0x59: {  	_ =	shalt  }
0x5a: {  	_ =	shalt  }
0x5b: {  	_ =	shalt  }
0x5c: {  	_ =	shalt  }
0x5d: {  	_ =	shalt  }
0x5e: {  	_ =	shalt  }
0x5f: {  	_ =	shalt  }
0x60: {  	_ =	shalt  }
0x61: {  	_ =	shalt  }
0x62: {  	_ =	shalt  }
0x63: {  	_ =	shalt  }
0x64: {  	_ =	shalt  }
0x65: {  	_ =	shalt  }
0x66: {  	_ =	shalt  }
0x67: {  	_ =	shalt  }
0x68: {  	_ =	shalt  }
0x69: {  	_ =	shalt  }
0x6a: {  	_ =	shalt  }
0x6b: {  	_ =	shalt  }
0x6c: {  	_ =	shalt  }
0x6d: {  	_ =	shalt  }
0x6e: {  	_ =	shalt  }
0x6f: {  	_ =	shalt  }
0x70: {  	_ =	shalt  }
0x71: {  	_ =	shalt  }
0x72: {  	_ =	shalt  }
0x73: {  	_ =	shalt  }
0x74: {  	_ =	shalt  }
0x75: {  	_ =	shalt  }
0x76: {  	_ =	shalt  }
0x77: {  	_ =	shalt  }
0x78: {  	_ =	shalt  }
0x79: {  	_ =	shalt  }
0x7a: {  	_ =	shalt  }
0x7b: {  	_ =	shalt  }
0x7c: {  	_ =	shalt  }
0x7d: {  	_ =	shalt  }
0x7e: {  	_ =	shalt  }
0x7f: {  	_ =	shalt  }
0x80: {  	_ =	shalt  }
0x81: {  	_ =	shalt  }
0x82: {  	_ =	shalt  }
0x83: {  	_ =	shalt  }
0x84: {  	_ =	shalt  }
0x85: {  	_ =	shalt  }
0x86: {  	_ =	shalt  }
0x87: {  	_ =	shalt  }
.Lfunc_end0:
.L_simem_size_0:
called_computation.1_lowered:
.L_overlay_start_0:
0x88: {  	s2 =	sld [smem:$0x3FD9]  }
0x89: {  	s3 =	sld [smem:$0x3FFE];
	_ =	sdelay $0x1  }
0x8a: {  	s1 =	srdreg.scid  }
0x8b: {  	s0 =	sand.u32 $0x1, s1  }
0x8c: {  	s17 =	sshll.u32 s0, $0xA;
	s2 =	sadd.s32 s3, s2  }
0x8d: {  	s2 =	sadd.s32 s2, s17  }
0x8e: {  	[smem:$0x3FC5] =	sst s2  }
0x8f: {  	_ = 	snop  }
0x90: {  	(tm) =	ssettm $0x1  }
0x91: {  	s18 =	sld [smem:$0x3FFB];
	_ =	sdelay $0x3  }
0x92: {  	_ =	strace s18  }
0x93: {  	s2 =	sld [smem:$0x3FFC];
	_ =	sdelay $0x3  }
0x94: {  	_ =	strace s2  }
0x95: {  	s2 =	sld [smem:$0x3FFD];
	_ =	sdelay $0x3  }
0x96: {  	_ =	strace s2  }
0x97: {  	_ =	strace $0x8FFFFFFF  }
0x98: {  	s19 =	sld [smem:$0x3FDB];
	_ =	sdelay $0x1  }
0x99: {  	s20 =	simm.s32 $_scs_section_size  }
0x9a: {  	s4 =	simm.s32 $_size__tile_overlayer_lowered;
	s5 =	simm.s32 $_tile_overlayer_lowered  }
0x9b: {  	s6 =	simm.s32 $0x1BFF;
	s21 =	sshll.u32 s5, $0x1;
	s3 =	sadd.s32 s20, s19  }
0x9c: {  	s22 =	simm.s32 $0x0;
	s4 =	sshll.u32 s4, $0x1;
	s5 =	sadd.s32 s21, s3  }
0x9d: {  	[timem:s22], [sflag:s6] =	dma.local [hbm:s5], s4  }
0x9e: {  	_ =	swait.ge [sflag:s6], s4  }
0x9f: {  	s4 =	ssub.s32 $0x0, s4;
	[sflag:s6] =	ssyncset.done $0x0  }
0xa0: {  	[sflag:s6] =	ssyncadd.s32 s4;
	_ =	sdelay $0x1  }
0xa1: {  	s23 =	simm.s32 $0x1B8B  }
0xa2: {  	_ =	swait.ge [sflag:s23], $0x1  }
0xa3: {  	[sflag:s23] =	ssyncset.done $0x0  }
0xa4: {  	[sflag:s23] =	ssyncadd.s32 $0xFFFFFFFF  }
0xa5: {  	s4 =	sld [smem:$0x0]  }
0xa6: {  	s5 =	sand.u32 $0xFFFFFFFE, s1  }
0xa7: {  	p0 =	sne.s32 s1, s5  }
0xa8: {  	s5 =	sshll.u32 @p0 s5, $0xE  }
0xa9: {  	s5 =	sadd.s32 @p0 $0x11B8D, s5;
	s6 =	sshll.u32 @p0 s4, $0x11  }
0xaa: {  	s5 =	sor.u32 @p0 s6, s5  }
0xab: {  	[sflag:s5] =	ssyncadd.remote.s32 @p0 $0x1;
	_ =	sdelay $0x1  }
0xac: {  	s5 =	simm.s32 @p0 $0x1B8D  }
0xad: {  	_ =	swait.eq @p0 [sflag:s5], $0x1  }
0xae: {  	[sflag:s5] =	ssyncadd.s32 @p0 $0xFFFFFFFF  }
0xaf: {  	s6 =	sshll.u32 @!p0 s1, $0xE  }
0xb0: {  	s6 =	sor.u32 @!p0 $0x4000, s6;
	s5 =	simm.s32 @!p0 $0x1B8D  }
0xb1: {  	s4 =	sshll.u32 @!p0 s4, $0x11;
	s6 =	sadd.s32 @!p0 $0x11B8D, s6;
	_ =	swait.eq @!p0 [sflag:s5], $0x1  }
0xb2: {  	s4 =	sor.u32 @!p0 s4, s6;
	[sflag:s5] =	ssyncadd.s32 @!p0 $0xFFFFFFFF  }
0xb3: {  	s25 =	simm.s32 $0x1B8E;
	s24 =	sld [smem:$0x3FFE];
	[sflag:s4] =	ssyncadd.remote.s32 @!p0 $0x1  }
0xb4: {  	s26 =	simm.s32 $execute0_lowered;
	[smem:$0x3FD2] =	sst s25  }
0xb5: {  	s5 =	sshll.u32 s26, $0x1;
	_ =	strace $0x80000049;
	[dreg:$0x1] =	wrdreg $0xFFFFFFFF  }
0xb6: {  	s28 =	simm.s32 $_size_execute0_lowered;
	s3 =	sadd.s32 s3, s5;
	[dreg:$0x0] =	wrdreg $0x0  }
0xb7: {  	s5 =	sshll.u32 s28, $0x1;
	[dreg:$0x2] =	wrdreg s3  }
0xb8: {  	[dreg:$0x3] =	wrdreg s5  }
0xb9: {  	[dreg:$0x4] =	wrdreg $0xC0  }
0xba: {  	_ =	task [dreg:s22], $0x5FFFF  }
0xbb: {  	[dreg:$0x1] =	wrdreg $0xFFFFFFFF  }
0xbc: {  	[dreg:$0x0] =	wrdreg $0x60  }
0xbd: {  	[dreg:$0x2] =	wrdreg s24  }
0xbe: {  	[dreg:$0x3] =	wrdreg $0xA  }
0xbf: {  	_ =	task.clear_ibuf [dreg:s22], $0x4FFFF;
	_ =	strace $0x90000049  }
0xc0: {  	s29 =	simm.s32 $0xA;
	_ =	strace $0x8000004B  }
0xc1: {  	_ =	swait.ge [sflag:s29], $0x1  }
0xc2: {  	[sflag:s29] =	ssyncadd.s32 $0xFFFFFFFF  }
0xc3: {  	_ =	strace $0x9000004B  }
0xc4: {  	_ =	sfence  }
0xc5: {  	s30 =	sld [smem:$0x0];
	_ =	sdelay $0x2  }
0xc6: {  	s31 =	sshll.u32 s1, $0xD;
	s1 =	sshrl.u32 s1, $0x2  }
0xc7: {  	s4 =	sand.u32 $0x4000, s31;
	s1 =	sadd.s32 s1, s30  }
0xc8: {  	s0 =	sor.u32 s4, s0;
	s1 =	sshll.u32 s1, $0x11  }
0xc9: {  	s0 =	sor.u32 s1, s0  }
0xca: {  	s0 =	sadd.s32 $0x8F2B, s0  }
0xcb: {  	[sflag:s0] =	ssyncadd.remote.s32 $0x1  }
0xcc: {  	_ =	sfence.sel $0xFFFF  }
0xcd: {  	[dreg:$0x0] =	wrdreg $0xFFFFFFFF;
	(pc) =	sbr.abs _section_cstart, $3  }
0xce: {  	[dreg:$0x1] =	wrdreg $0xFFFFFFFF  }
0xcf: {  	_ =	task.clear_ibuf [dreg:s22], $0x2FFFF;
	_ =	strace $0x9FFFFFFF  }
0xd0: {  	(tm) =	ssettm $0x7FFFFFFF  }
0xd1: {  	_ =	shalt  }
tec
execute0_lowered:
.L_overlay_start_1:
0x0: {  	(tag) =	ssettag $0x1  }
0x1: {  	s3 =	rddreg [dreg:$0x0]  }
0x2: {  	s0 =	rddreg [dreg:$0x1];
	s2 =	simm.s32 $0x0  }
0x3: {  	s1 =	stileid.u32;
	s5 =	srdreg.scid;
	s12 =	simm.s32 $0xC380  }
0x4: {  	s13 =	simm.s32 $0xC480;
	s14 =	simm.s32 $0x0;
	[smem:$0x7FF] =	sst s2  }
0x5: {  	s4 =	sshrl.u32 s1, $0x3;
	s6 =	sshll.u32 s1, $0x1;
	s5 =	sand.u32 $0x1, s5  }
0x6: {  	s9 =	sadd.s32 $0xC000, s3;
	s10 =	sadd.s32 $0x1FA00, s3;
	s7 =	smul.u32 $0x9C4, s4  }
0x7: {  	s11 =	sand.u32 $0xE, s6;
	_ =	strace $0x8000004A;
	s8 =	ssub.s32 $0x2, s5  }
0x8: {  	s4 =	smul.u32 $0x4E2, s4;
	s6 =	sor.u32 s5, s11;
	s26 =	sshrl.u32 s8, $0x1  }
0x9: {  	p0 =	sne.s32 s11, $0x0;
	s7 =	sadd.s32 s7, s3;
	s6 =	smul.u32 $0x4E, s6  }
0xa: {  	s11 =	simm.s32 $0x9C80;
	s8 =	ssub.s32 s8, s26;
	s3 =	sadd.s32 $0xE00, s7  }
.Ltmp0:
0xb: {  	s6 =	sadd.s32 s4, s6;
	s4 =	sor.u32 s5, s4;
	(pc) =	sbr.rel .LBB2_1-.Ltmp0, $4  }
0xc: {  	s8 =	smax.u32 s8, $0x1;
	s28 =	sshll.u32 s6, $0x5;
	s29 =	sadd.s32 $0x4E0, s4  }
0xd: {  	s30 =	sshll.u32 s6, $0x4;
	s4 =	sadd.s32 s9, s28;
	s31 =	sshll.u32 s29, $0x5  }
0xe: {  	s5 =	sadd.s32 s10, s30;
	s7 =	sshll.u32 s29, $0x4;
	s6 =	sadd.s32 s9, s31  }
0xf: {  	s7 =	sadd.s32 s10, s7;
	s9 =	simm.s32 $0x1;
	s10 =	simm.s32 $0x4E80  }
.LBB2_5:
0x10: {  	s14 =	sadd.s32 $0x1, s14  }
0x11: {  	p1 =	sne.s32 s14, s8  }
.Ltmp1:
0x12: {  	_ = 	snop;
	(pc) =	sbr.rel @!p1 .LBB2_6-.Ltmp1, $1  }
0x13: {  	_ =	sdelay $0x3  }
.LBB2_1:
0x14: {  	[tilespmem:s2], [sflag:$0x1] =	stream.linear.gather [hbm4b:s3+s2], $0x4E20, $0x38;
	[tilespmem:$0xC500] =	vst v63  }
0x15: {  	_ =	swait.ge [sflag:s9], $0x4E20  }
0x16: {  	[sflag:s9] =	ssyncset.done $0x0  }
0x17: {  	[sflag:s9] =	ssyncadd.s32 $0xFFFFB1E0  }
0x18: {  	[tilespmem:s10], [sflag:$0x1] =	stream.linear.gather [hbm4b:s4+s2], $0x4E00, $0x38;
	[tilespmem:$0xC500] =	vst v63  }
0x19: {  	_ =	swait.ge [sflag:s9], $0x4E00  }
0x1a: {  	[sflag:s9] =	ssyncset.done $0x0  }
0x1b: {  	s15 =	simm.s32 $0x4F00;
	s16 =	simm.s32 $0x0;
	[sflag:s9] =	ssyncadd.s32 $0xFFFFB200  }
.LBB2_2:
0x1c: {  	v0 =	vld [tilespmem:s15+$0xFFFFFF80]  }
0x1d: {  	v1 =	vld [tilespmem:s15+$0x0];
	_ =	sdelay $0x3  }
0x1e: {  	v0 =	vshll.u32 v0, $0x1  }
0x1f: {  	v1 =	vshll.u32 v1, $0x1  }
0x20: {  	v2 =	vor.u32 $0x1, v0  }
0x21: {  	v3 =	vor.u32 $0x1, v1;
	_ =	sdelay $0x1  }
0x22: {  	v0 =	vld.idx.msk [tilespmem:v0+s2+$0x0], $0xffff  }
0x23: {  	v1 =	vld.idx.msk [tilespmem:v1+s2+$0x0], $0xffff  }
0x24: {  	v2 =	vld.idx.msk [tilespmem:v2+s2+$0x0], $0xffff  }
0x25: {  	v3 =	vld.idx.msk [tilespmem:v3+s2+$0x0], $0xffff;
	_ =	sdelay $0x4  }
0x26: {  	v0 =	vsub.f32 v0, v1;
	v35 =	vsub.f32 v2, v3;
	_ =	sdelay $0x1  }
0x27: {  	v0 =	vmul.f32 v0, v0;
	v1 =	vmul.f32 v35, v35;
	_ =	sdelay $0x1  }
0x28: {  	v0 =	vadd.f32 v1, v0  }
0x29: {  	s17 =	sshra.s32 s16, $0x2  }
0x2a: {  	[tilespmem:s17+$0x9C80] =	vst v0  }
0x2b: {  	v0 =	vld [tilespmem:s15+$0xFFFFFF90]  }
0x2c: {  	v36 =	vld [tilespmem:s15+$0x10];
	_ =	sdelay $0x3  }
0x2d: {  	v0 =	vshll.u32 v0, $0x1  }
0x2e: {  	v1 =	vshll.u32 v36, $0x1  }
0x2f: {  	v37 =	vor.u32 $0x1, v0  }
0x30: {  	v38 =	vor.u32 $0x1, v1;
	_ =	sdelay $0x1  }
0x31: {  	v0 =	vld.idx.msk [tilespmem:v0+s2+$0x0], $0xffff  }
0x32: {  	v1 =	vld.idx.msk [tilespmem:v1+s2+$0x0], $0xffff  }
0x33: {  	v2 =	vld.idx.msk [tilespmem:v37+s2+$0x0], $0xffff  }
0x34: {  	v3 =	vld.idx.msk [tilespmem:v38+s2+$0x0], $0xffff;
	_ =	sdelay $0x4  }
0x35: {  	v0 =	vsub.f32 v0, v1;
	v39 =	vsub.f32 v2, v3;
	_ =	sdelay $0x1  }
0x36: {  	v0 =	vmul.f32 v0, v0;
	v1 =	vmul.f32 v39, v39;
	_ =	sdelay $0x1  }
0x37: {  	v0 =	vadd.f32 v1, v0;
	_ =	sdelay $0x1  }
0x38: {  	[tilespmem:s17+$0x9C90] =	vst v0  }
0x39: {  	v0 =	vld [tilespmem:s15+$0xFFFFFFA0]  }
0x3a: {  	v40 =	vld [tilespmem:s15+$0x20];
	_ =	sdelay $0x3  }
0x3b: {  	v0 =	vshll.u32 v0, $0x1  }
0x3c: {  	v1 =	vshll.u32 v40, $0x1  }
0x3d: {  	v41 =	vor.u32 $0x1, v0  }
0x3e: {  	v42 =	vor.u32 $0x1, v1;
	_ =	sdelay $0x1  }
0x3f: {  	v0 =	vld.idx.msk [tilespmem:v0+s2+$0x0], $0xffff  }
0x40: {  	v1 =	vld.idx.msk [tilespmem:v1+s2+$0x0], $0xffff  }
0x41: {  	v2 =	vld.idx.msk [tilespmem:v41+s2+$0x0], $0xffff  }
0x42: {  	v3 =	vld.idx.msk [tilespmem:v42+s2+$0x0], $0xffff;
	_ =	sdelay $0x4  }
0x43: {  	v0 =	vsub.f32 v0, v1;
	v43 =	vsub.f32 v2, v3;
	_ =	sdelay $0x1  }
0x44: {  	v0 =	vmul.f32 v0, v0;
	v1 =	vmul.f32 v43, v43;
	_ =	sdelay $0x1  }
0x45: {  	v0 =	vadd.f32 v1, v0;
	_ =	sdelay $0x1  }
0x46: {  	[tilespmem:s17+$0x9CA0] =	vst v0  }
0x47: {  	v0 =	vld [tilespmem:s15+$0xFFFFFFB0]  }
0x48: {  	v44 =	vld [tilespmem:s15+$0x30];
	_ =	sdelay $0x3  }
0x49: {  	v0 =	vshll.u32 v0, $0x1  }
0x4a: {  	v1 =	vshll.u32 v44, $0x1  }
0x4b: {  	v45 =	vor.u32 $0x1, v0  }
0x4c: {  	v46 =	vor.u32 $0x1, v1;
	_ =	sdelay $0x1  }
0x4d: {  	v0 =	vld.idx.msk [tilespmem:v0+s2+$0x0], $0xffff  }
0x4e: {  	v1 =	vld.idx.msk [tilespmem:v1+s2+$0x0], $0xffff  }
0x4f: {  	v2 =	vld.idx.msk [tilespmem:v45+s2+$0x0], $0xffff  }
0x50: {  	v3 =	vld.idx.msk [tilespmem:v46+s2+$0x0], $0xffff;
	_ =	sdelay $0x4  }
0x51: {  	v0 =	vsub.f32 v0, v1;
	v47 =	vsub.f32 v2, v3;
	_ =	sdelay $0x1  }
0x52: {  	v0 =	vmul.f32 v0, v0;
	v1 =	vmul.f32 v47, v47;
	_ =	sdelay $0x1  }
0x53: {  	v0 =	vadd.f32 v1, v0;
	_ =	sdelay $0x1  }
0x54: {  	[tilespmem:s17+$0x9CB0] =	vst v0  }
0x55: {  	v0 =	vld [tilespmem:s15+$0xFFFFFFC0]  }
0x56: {  	v48 =	vld [tilespmem:s15+$0x40];
	_ =	sdelay $0x3  }
0x57: {  	v0 =	vshll.u32 v0, $0x1  }
0x58: {  	v1 =	vshll.u32 v48, $0x1  }
0x59: {  	v49 =	vor.u32 $0x1, v0  }
0x5a: {  	v50 =	vor.u32 $0x1, v1;
	_ =	sdelay $0x1  }
0x5b: {  	v0 =	vld.idx.msk [tilespmem:v0+s2+$0x0], $0xffff  }
0x5c: {  	v1 =	vld.idx.msk [tilespmem:v1+s2+$0x0], $0xffff  }
0x5d: {  	v2 =	vld.idx.msk [tilespmem:v49+s2+$0x0], $0xffff  }
0x5e: {  	v3 =	vld.idx.msk [tilespmem:v50+s2+$0x0], $0xffff;
	_ =	sdelay $0x4  }
0x5f: {  	v0 =	vsub.f32 v0, v1;
	v51 =	vsub.f32 v2, v3;
	_ =	sdelay $0x1  }
0x60: {  	v0 =	vmul.f32 v0, v0;
	v1 =	vmul.f32 v51, v51;
	_ =	sdelay $0x1  }
0x61: {  	v0 =	vadd.f32 v1, v0;
	_ =	sdelay $0x1  }
0x62: {  	[tilespmem:s17+$0x9CC0] =	vst v0  }
0x63: {  	v0 =	vld [tilespmem:s15+$0xFFFFFFD0]  }
0x64: {  	v52 =	vld [tilespmem:s15+$0x50];
	_ =	sdelay $0x3  }
0x65: {  	v0 =	vshll.u32 v0, $0x1  }
0x66: {  	v1 =	vshll.u32 v52, $0x1  }
0x67: {  	v53 =	vor.u32 $0x1, v0  }
0x68: {  	v54 =	vor.u32 $0x1, v1;
	_ =	sdelay $0x1  }
0x69: {  	v0 =	vld.idx.msk [tilespmem:v0+s2+$0x0], $0xffff  }
0x6a: {  	v1 =	vld.idx.msk [tilespmem:v1+s2+$0x0], $0xffff  }
0x6b: {  	v2 =	vld.idx.msk [tilespmem:v53+s2+$0x0], $0xffff  }
0x6c: {  	v3 =	vld.idx.msk [tilespmem:v54+s2+$0x0], $0xffff;
	_ =	sdelay $0x4  }
0x6d: {  	v0 =	vsub.f32 v0, v1;
	v55 =	vsub.f32 v2, v3;
	_ =	sdelay $0x1  }
0x6e: {  	v0 =	vmul.f32 v0, v0;
	v1 =	vmul.f32 v55, v55;
	_ =	sdelay $0x1  }
0x6f: {  	v0 =	vadd.f32 v1, v0;
	_ =	sdelay $0x1  }
0x70: {  	[tilespmem:s17+$0x9CD0] =	vst v0  }
0x71: {  	v0 =	vld [tilespmem:s15+$0xFFFFFFE0]  }
0x72: {  	v56 =	vld [tilespmem:s15+$0x60];
	_ =	sdelay $0x3  }
0x73: {  	v0 =	vshll.u32 v0, $0x1  }
0x74: {  	v1 =	vshll.u32 v56, $0x1  }
0x75: {  	v57 =	vor.u32 $0x1, v0  }
0x76: {  	v58 =	vor.u32 $0x1, v1;
	_ =	sdelay $0x1  }
0x77: {  	v0 =	vld.idx.msk [tilespmem:v0+s2+$0x0], $0xffff  }
0x78: {  	v1 =	vld.idx.msk [tilespmem:v1+s2+$0x0], $0xffff  }
0x79: {  	v2 =	vld.idx.msk [tilespmem:v57+s2+$0x0], $0xffff  }
0x7a: {  	v3 =	vld.idx.msk [tilespmem:v58+s2+$0x0], $0xffff;
	_ =	sdelay $0x4  }
0x7b: {  	v0 =	vsub.f32 v0, v1;
	v59 =	vsub.f32 v2, v3;
	_ =	sdelay $0x1  }
0x7c: {  	v0 =	vmul.f32 v0, v0;
	v1 =	vmul.f32 v59, v59;
	_ =	sdelay $0x1  }
0x7d: {  	v0 =	vadd.f32 v1, v0;
	_ =	sdelay $0x1  }
0x7e: {  	[tilespmem:s17+$0x9CE0] =	vst v0  }
0x7f: {  	v0 =	vld [tilespmem:s15+$0xFFFFFFF0]  }
0x80: {  	v60 =	vld [tilespmem:s15+$0x70];
	_ =	sdelay $0x3  }
0x81: {  	v0 =	vshll.u32 v0, $0x1  }
0x82: {  	v1 =	vshll.u32 v60, $0x1  }
0x83: {  	v61 =	vor.u32 $0x1, v0  }
0x84: {  	v62 =	vor.u32 $0x1, v1;
	_ =	sdelay $0x1  }
0x85: {  	v0 =	vld.idx.msk [tilespmem:v0+s2+$0x0], $0xffff  }
0x86: {  	v1 =	vld.idx.msk [tilespmem:v1+s2+$0x0], $0xffff  }
0x87: {  	v2 =	vld.idx.msk [tilespmem:v61+s2+$0x0], $0xffff  }
0x88: {  	v3 =	vld.idx.msk [tilespmem:v62+s2+$0x0], $0xffff;
	_ =	sdelay $0x4  }
0x89: {  	v0 =	vsub.f32 v0, v1;
	v63 =	vsub.f32 v2, v3  }
0x8a: {  	p1 =	sne.s32 s16, $0x9A00  }
.Ltmp2:
0x8b: {  	v0 =	vmul.f32 v0, v0;
	v1 =	vmul.f32 v63, v63;
	(pc) =	sbr.rel @p1 .LBB2_2-.Ltmp2, $3  }
0x8c: {  	_ = 	snop  }
0x8d: {  	v0 =	vadd.f32 v1, v0;
	_ =	sdelay $0x1  }
0x8e: {  	s16 =	sadd.s32 $0x200, s16;
	s15 =	sadd.s32 $0x100, s15;
	[tilespmem:s17+$0x9CF0] =	vst v0  }
.Ltmp3:
0x8f: {  	(pc) =	sbr.rel @p0 .LBB2_5-.Ltmp3, $4  }
0x90: {  	[hbm4b:s5+s2] =	stream.linear.scatter [tilespmem:s11], [sflag:$0x1], $0x2700, $0x38;
	[tilespmem:$0xC500] =	vst v63  }
0x91: {  	_ =	swait.ge [sflag:s9], $0x2700  }
0x92: {  	[sflag:s9] =	ssyncset.done $0x0  }
0x93: {  	[sflag:s9] =	ssyncadd.s32 $0xFFFFD900  }
0x94: {  	[tilespmem:s12], [sflag:$0x1] =	stream.linear.gather [hbm4b:s6+s2], $0x100, $0x38;
	[tilespmem:$0xC500] =	vst v63  }
0x95: {  	_ =	swait.ge [sflag:s9], $0x100  }
0x96: {  	[sflag:s9] =	ssyncset.done $0x0  }
0x97: {  	[sflag:s9] =	ssyncadd.s32 $0xFFFFFF00  }
0x98: {  	v0 =	vld [tilespmem:$0xC380]  }
0x99: {  	v1 =	vld [tilespmem:$0xC400];
	_ =	sdelay $0x3  }
0x9a: {  	v0 =	vshll.u32 v0, $0x1  }
0x9b: {  	v1 =	vshll.u32 v1, $0x1  }
0x9c: {  	v2 =	vor.u32 $0x1, v0  }
0x9d: {  	v3 =	vor.u32 $0x1, v1;
	_ =	sdelay $0x1  }
0x9e: {  	v0 =	vld.idx.msk [tilespmem:v0+s2+$0x0], $0xffff  }
0x9f: {  	v1 =	vld.idx.msk [tilespmem:v1+s2+$0x0], $0xffff  }
0xa0: {  	v2 =	vld.idx.msk [tilespmem:v2+s2+$0x0], $0xffff  }
0xa1: {  	v3 =	vld.idx.msk [tilespmem:v3+s2+$0x0], $0xffff;
	_ =	sdelay $0x1  }
0xa2: {  	v4 =	vld [tilespmem:$0xC390];
	_ =	sdelay $0x1  }
0xa3: {  	v5 =	vld [tilespmem:$0xC410]  }
0xa4: {  	v0 =	vsub.f32 v0, v1;
	v58 =	vsub.f32 v2, v3;
	_ =	sdelay $0x1  }
0xa5: {  	v59 =	vshll.u32 v4, $0x1;
	v0 =	vmul.f32 v0, v0;
	v1 =	vmul.f32 v58, v58  }
0xa6: {  	v60 =	vor.u32 $0x1, v59  }
0xa7: {  	v61 =	vshll.u32 v5, $0x1;
	v0 =	vadd.f32 v1, v0  }
0xa8: {  	v62 =	vor.u32 $0x1, v61  }
0xa9: {  	[tilespmem:$0xC480] =	vst v0  }
0xaa: {  	v0 =	vld.idx.msk [tilespmem:v59+s2+$0x0], $0xffff  }
0xab: {  	v63 =	vld.idx.msk [tilespmem:v60+s2+$0x0], $0xffff  }
0xac: {  	v1 =	vld.idx.msk [tilespmem:v61+s2+$0x0], $0xffff  }
0xad: {  	v8 =	vld.idx.msk [tilespmem:v62+s2+$0x0], $0xffff;
	_ =	sdelay $0x1  }
0xae: {  	v9 =	vld [tilespmem:$0xC3A0];
	_ =	sdelay $0x1  }
0xaf: {  	v10 =	vld [tilespmem:$0xC420]  }
0xb0: {  	v0 =	vsub.f32 v0, v1;
	v11 =	vsub.f32 v63, v8;
	_ =	sdelay $0x1  }
0xb1: {  	v12 =	vshll.u32 v9, $0x1;
	v0 =	vmul.f32 v0, v0;
	v1 =	vmul.f32 v11, v11  }
0xb2: {  	v13 =	vor.u32 $0x1, v12  }
0xb3: {  	v14 =	vshll.u32 v10, $0x1;
	v0 =	vadd.f32 v1, v0  }
0xb4: {  	v15 =	vor.u32 $0x1, v14  }
0xb5: {  	[tilespmem:$0xC490] =	vst v0  }
0xb6: {  	v0 =	vld.idx.msk [tilespmem:v12+s2+$0x0], $0xffff  }
0xb7: {  	v16 =	vld.idx.msk [tilespmem:v13+s2+$0x0], $0xffff  }
0xb8: {  	v1 =	vld.idx.msk [tilespmem:v14+s2+$0x0], $0xffff  }
0xb9: {  	v17 =	vld.idx.msk [tilespmem:v15+s2+$0x0], $0xffff;
	_ =	sdelay $0x1  }
0xba: {  	v18 =	vld [tilespmem:$0xC3B0];
	_ =	sdelay $0x1  }
0xbb: {  	v19 =	vld [tilespmem:$0xC430]  }
0xbc: {  	v0 =	vsub.f32 v0, v1;
	v20 =	vsub.f32 v16, v17;
	_ =	sdelay $0x1  }
0xbd: {  	v21 =	vshll.u32 v18, $0x1;
	v0 =	vmul.f32 v0, v0;
	v1 =	vmul.f32 v20, v20  }
0xbe: {  	v22 =	vor.u32 $0x1, v21  }
0xbf: {  	v23 =	vshll.u32 v19, $0x1;
	v0 =	vadd.f32 v1, v0  }
0xc0: {  	v24 =	vor.u32 $0x1, v23  }
0xc1: {  	[tilespmem:$0xC4A0] =	vst v0  }
0xc2: {  	v0 =	vld.idx.msk [tilespmem:v21+s2+$0x0], $0xffff  }
0xc3: {  	v25 =	vld.idx.msk [tilespmem:v22+s2+$0x0], $0xffff  }
0xc4: {  	v1 =	vld.idx.msk [tilespmem:v23+s2+$0x0], $0xffff  }
0xc5: {  	v26 =	vld.idx.msk [tilespmem:v24+s2+$0x0], $0xffff;
	_ =	sdelay $0x1  }
0xc6: {  	v27 =	vld [tilespmem:$0xC3C0];
	_ =	sdelay $0x1  }
0xc7: {  	v28 =	vld [tilespmem:$0xC440]  }
0xc8: {  	v0 =	vsub.f32 v0, v1;
	v29 =	vsub.f32 v25, v26;
	_ =	sdelay $0x1  }
0xc9: {  	v30 =	vshll.u32 v27, $0x1;
	v0 =	vmul.f32 v0, v0;
	v1 =	vmul.f32 v29, v29  }
0xca: {  	v31 =	vor.u32 $0x1, v30  }
0xcb: {  	v32 =	vshll.u32 v28, $0x1;
	v0 =	vadd.f32 v1, v0  }
0xcc: {  	v33 =	vor.u32 $0x1, v32  }
0xcd: {  	[tilespmem:$0xC4B0] =	vst v0  }
0xce: {  	v0 =	vld.idx.msk [tilespmem:v30+s2+$0x0], $0xffff  }
0xcf: {  	v34 =	vld.idx.msk [tilespmem:v31+s2+$0x0], $0xffff  }
0xd0: {  	v1 =	vld.idx.msk [tilespmem:v32+s2+$0x0], $0xffff  }
0xd1: {  	v35 =	vld.idx.msk [tilespmem:v33+s2+$0x0], $0xffff;
	_ =	sdelay $0x1  }
0xd2: {  	v36 =	vld [tilespmem:$0xC3D0];
	_ =	sdelay $0x1  }
0xd3: {  	v37 =	vld [tilespmem:$0xC450]  }
0xd4: {  	v0 =	vsub.f32 v0, v1;
	v38 =	vsub.f32 v34, v35;
	_ =	sdelay $0x1  }
0xd5: {  	v39 =	vshll.u32 v36, $0x1;
	v0 =	vmul.f32 v0, v0;
	v1 =	vmul.f32 v38, v38  }
0xd6: {  	v40 =	vor.u32 $0x1, v39  }
0xd7: {  	v41 =	vshll.u32 v37, $0x1;
	v0 =	vadd.f32 v1, v0  }
0xd8: {  	v42 =	vor.u32 $0x1, v41  }
0xd9: {  	[tilespmem:$0xC4C0] =	vst v0  }
0xda: {  	v0 =	vld.idx.msk [tilespmem:v39+s2+$0x0], $0xffff  }
0xdb: {  	v43 =	vld.idx.msk [tilespmem:v40+s2+$0x0], $0xffff  }
0xdc: {  	v1 =	vld.idx.msk [tilespmem:v41+s2+$0x0], $0xffff  }
0xdd: {  	v44 =	vld.idx.msk [tilespmem:v42+s2+$0x0], $0xffff;
	_ =	sdelay $0x1  }
0xde: {  	v45 =	vld [tilespmem:$0xC3E0];
	_ =	sdelay $0x1  }
0xdf: {  	v46 =	vld [tilespmem:$0xC460]  }
0xe0: {  	v0 =	vsub.f32 v0, v1;
	v47 =	vsub.f32 v43, v44;
	_ =	sdelay $0x1  }
0xe1: {  	v48 =	vshll.u32 v45, $0x1;
	v0 =	vmul.f32 v0, v0;
	v1 =	vmul.f32 v47, v47  }
0xe2: {  	v49 =	vor.u32 $0x1, v48  }
0xe3: {  	v50 =	vshll.u32 v46, $0x1;
	v0 =	vadd.f32 v1, v0  }
0xe4: {  	v51 =	vor.u32 $0x1, v50  }
0xe5: {  	[tilespmem:$0xC4D0] =	vst v0  }
0xe6: {  	v0 =	vld.idx.msk [tilespmem:v48+s2+$0x0], $0xffff  }
0xe7: {  	v52 =	vld.idx.msk [tilespmem:v49+s2+$0x0], $0xffff  }
0xe8: {  	v1 =	vld.idx.msk [tilespmem:v50+s2+$0x0], $0xffff  }
0xe9: {  	v53 =	vld.idx.msk [tilespmem:v51+s2+$0x0], $0xffff;
	_ =	sdelay $0x1  }
0xea: {  	v54 =	vld [tilespmem:$0xC3F0];
	_ =	sdelay $0x1  }
0xeb: {  	v55 =	vld [tilespmem:$0xC470]  }
0xec: {  	v0 =	vsub.f32 v0, v1;
	v56 =	vsub.f32 v52, v53;
	_ =	sdelay $0x1  }
0xed: {  	v57 =	vshll.u32 v54, $0x1;
	v0 =	vmul.f32 v0, v0;
	v1 =	vmul.f32 v56, v56  }
0xee: {  	v58 =	vor.u32 $0x1, v57  }
0xef: {  	v59 =	vshll.u32 v55, $0x1;
	v0 =	vadd.f32 v1, v0  }
0xf0: {  	v60 =	vor.u32 $0x1, v59  }
0xf1: {  	[tilespmem:$0xC4E0] =	vst v0  }
0xf2: {  	v0 =	vld.idx.msk [tilespmem:v57+s2+$0x0], $0xffff  }
0xf3: {  	v61 =	vld.idx.msk [tilespmem:v58+s2+$0x0], $0xffff  }
0xf4: {  	v1 =	vld.idx.msk [tilespmem:v59+s2+$0x0], $0xffff  }
0xf5: {  	v62 =	vld.idx.msk [tilespmem:v60+s2+$0x0], $0xffff;
	_ =	sdelay $0x4  }
0xf6: {  	v0 =	vsub.f32 v0, v1;
	v63 =	vsub.f32 v61, v62;
	_ =	sdelay $0x1  }
0xf7: {  	v0 =	vmul.f32 v0, v0;
	v1 =	vmul.f32 v63, v63;
	_ =	sdelay $0x1  }
0xf8: {  	v0 =	vadd.f32 v1, v0;
	_ =	sdelay $0x1  }
.Ltmp4:
0xf9: {  	[tilespmem:$0xC4F0] =	vst v0;
	(pc) =	sbr.rel .LBB2_5-.Ltmp4, $4  }
0xfa: {  	[hbm4b:s7+s2] =	stream.linear.scatter [tilespmem:s13], [sflag:$0x1], $0x80, $0x38;
	[tilespmem:$0xC500] =	vst v63  }
0xfb: {  	_ =	swait.ge [sflag:s9], $0x80  }
0xfc: {  	[sflag:s9] =	ssyncset.done $0x0  }
0xfd: {  	[sflag:s9] =	ssyncadd.s32 $0xFFFFFF80  }
.LBB2_6:
0xfe: {  	_ =	sfence.sel $0x180000  }
0xff: {  	[bflag:$0x0] =	sbarrier.arrive $0xFFFF  }
0x100: {  	p0 =	sne.s32 s1, $0x0;
	_ =	strace $0x9000004A  }
0x101: {  	s0 =	sadd.s32 @!p0 $0x100000, s0;
	[bflag:$0x2] =	sbarrier.arrive $0xFFFF  }
0x102: {  	[sflag:s0] =	ssyncadd.tile.s32 @!p0 $0x1;
	_ =	shalt  }
.Lfunc_end2:
_tile_overlayer_lowered:
.L_overlay_start_2:
0x103: {  	(tag) =	ssettag $0x2  }
0x104: {  	s0 =	rddreg [dreg:$0x0];
	s2 =	stileid.u32  }
0x105: {  	s1 =	rddreg [dreg:$0x1];
	p0 =	sne.s32 s2, $0x0  }
0x106: {  	s3 =	rddreg [dreg:$0x2];
	[bflag:$0x3] =	sbarrier.arrive $0xFFFF;
	s2 =	simm.s32 @!p0 $0x1C01  }
0x107: {  	[timem:s3], [sflag:s2] =	dma.local @!p0 [hbm:s0], s1  }
0x108: {  	s0 =	simm.s32 @!p0 $0x1  }
0x109: {  	_ =	swait.ge @!p0 [sflag:s0], s1  }
0x10a: {  	s1 =	ssub.s32 @!p0 $0x0, s1;
	[sflag:s0] =	ssyncset.done @!p0 $0x0  }
0x10b: {  	[sflag:s0] =	ssyncadd.s32 @!p0 s1  }
0x10c: {  	[bflag:$0x3] =	sbarrier.arrive $0xFFFF  }
0x10d: {  	_ =	shalt  }

</sc_bundles>
